<compile_context>
chip_gen: v7x
topology: tpu7x:2x2x1
jax: 0.10.2.dev20260603
libtpu: 0.0.44.dev20260713+nightly
codegen_flags: <defaults>
</compile_context>

<pallas_src>
import jax
import jax.numpy as jnp
from jax import lax
from jax.experimental import pallas as pl
from jax.experimental.pallas import tpu as pltpu
from jax.experimental.pallas import tpu_sc as plsc

_B, _M, _N = 4, 4096, 4096
_NNZ = 167772
_NC, _NS, _L = 2, 16, 16
_NW = _NC * _NS
_TPG = _NW // _B
_CH = 20992
_NNZ_PAD = _CH * _TPG
_NSPLIT = 4
_SUB = _CH // _NSPLIT
_SLICE = _M // _TPG
_UNROLL = 8

_W_PRIMAL, _W_DUAL, _W_STAT, _W_COMP = 0.1, 0.1, 0.6, 0.2


def _sc_kkt(x_hbm, lam_hbm, vals_hbm, rc_hbm, b_hbm, c_hbm,
            out_hbm,
            vals_v, rc_v, x_v, lam_v, ax_v, atl_v,
            bufa_v, bufb_v, b_v, c_v, outv,
            part_ax, part_atl, sh_x, sh_lam, sem_a, sem_b, sem_x):
    c = lax.axis_index("c")
    s = lax.axis_index("s")
    p = c * 2 + s // _TPG
    j = s % _TPG
    g0 = (s // _TPG) * _TPG
    wid = c * _NS + s
    pi = s // _TPG
    nz_base = p * _NNZ_PAD + j * _CH
    scope = jax.named_scope

    @pl.when(j == 0)
    def _stage_xl():
        pltpu.async_copy(x_hbm.at[pl.ds(p * _N, _N)], sh_x.at[pi], sem_x)
        pltpu.async_copy(lam_hbm.at[pl.ds(p * _M, _M)], sh_lam.at[pi], sem_x)

    cps_bc = [
        pltpu.async_copy(b_hbm.at[pl.ds(p * _M + j * _SLICE, _SLICE)], b_v, sem_x),
        pltpu.async_copy(c_hbm.at[pl.ds(p * _N + j * _SLICE, _SLICE)], c_v, sem_x),
    ]

    def fire(q, csem):
        base = nz_base + q * _SUB
        dst = pl.ds(q * _SUB, _SUB)
        return [
            pltpu.async_copy(vals_hbm.at[pl.ds(base, _SUB)],
                             vals_v.at[dst], csem),
            pltpu.async_copy(rc_hbm.at[pl.ds(base, _SUB)],
                             rc_v.at[dst], csem),
        ]

    cps_q0 = fire(0, sem_a)

    zero16 = jnp.zeros((_L,), jnp.float32)

    def zero_body(off):
        ax_v[pl.ds(off, _L)] = zero16
        atl_v[pl.ds(off, _L)] = zero16

    with jax.named_scope("p0_zero"):
        plsc.parallel_loop(0, _M, _L, unroll=8)(zero_body)

    with jax.named_scope("p0_bcast"):
        @pl.when(j == 0)
        def _wait_xl():
            pltpu.make_async_copy(x_hbm.at[pl.ds(p * _N, _N)],
                                  sh_x.at[pi], sem_x).wait()
            pltpu.make_async_copy(lam_hbm.at[pl.ds(p * _M, _M)],
                                  sh_lam.at[pi], sem_x).wait()
        plsc.subcore_barrier()
        cp1 = pltpu.async_copy(sh_x.at[pi], x_v, sem_x)
        cp2 = pltpu.async_copy(sh_lam.at[pi], lam_v, sem_x)
        cp1.wait()
        cp2.wait()

    with jax.named_scope("p0_wait"):
        for cp in cps_q0:
            cp.wait()

    cps_rest = []
    for q in range(1, _NSPLIT):
        cps_rest += fire(q, sem_b)

    def nnz_body(off):
        v16 = vals_v[pl.ds(off, _L)]
        rc16 = rc_v[pl.ds(off, _L)]
        r16 = rc16 & 0xFFFF
        k16 = lax.shift_right_logical(rc16, 16)
        xg = plsc.load_gather(x_v, [k16])
        plsc.addupdate_scatter(ax_v, [r16], v16 * xg)
        lg = plsc.load_gather(lam_v, [r16])
        plsc.addupdate_scatter(atl_v, [k16], v16 * lg)

    with jax.named_scope("p1_spmm"):
        plsc.parallel_loop(0, _SUB, _L, unroll=_UNROLL)(nnz_body)
        for cp in cps_rest:
            cp.wait()
        plsc.parallel_loop(_SUB, _CH, _L, unroll=_UNROLL)(nnz_body)

    with jax.named_scope("p2_pub"):
        cp1 = pltpu.async_copy(ax_v, part_ax.at[s], sem_x)
        cp2 = pltpu.async_copy(atl_v, part_atl.at[s], sem_x)
        cp1.wait()
        cp2.wait()
        plsc.subcore_barrier()

    off = j * _SLICE
    cps = [
        pltpu.async_copy(
            part_ax.at[pl.ds(g0, _TPG), pl.ds(off, _SLICE)], bufa_v, sem_x),
        pltpu.async_copy(
            part_atl.at[pl.ds(g0, _TPG), pl.ds(off, _SLICE)], bufb_v, sem_x),
    ]
    with jax.named_scope("p2_pull"):
        for cp in cps:
            cp.wait()

    def loss_body(t, acc):
        acc_p, acc_d, acc_s, acc_c = acc
        ds16 = pl.ds(t * _L, _L)
        ax16 = bufa_v[0, ds16]
        atl16 = bufb_v[0, ds16]
        for k in range(1, _TPG):
            ax16 = ax16 + bufa_v[k, ds16]
            atl16 = atl16 + bufb_v[k, ds16]
        b16 = b_v[ds16]
        c16 = c_v[ds16]
        lam16 = lam_v[pl.ds(off + t * _L, _L)]
        axmb = ax16 - b16
        relu_axmb = jnp.maximum(axmb, 0.0)
        relu_nlam = jnp.maximum(-lam16, 0.0)
        st = atl16 + c16
        cp16 = lam16 * axmb
        return (acc_p + relu_axmb * relu_axmb,
                acc_d + relu_nlam * relu_nlam,
                acc_s + st * st,
                acc_c + cp16 * cp16)

    acc0 = (zero16, zero16, zero16, zero16)
    for cp in cps_bc:
        cp.wait()
    with jax.named_scope("p3_loss"):
        acc_p, acc_d, acc_s, acc_c = lax.fori_loop(
            0, _SLICE // _L, loss_body, acc0)

    scale = 1.0 / (_M * _B)
    outv[...] = (_W_PRIMAL * acc_p + _W_DUAL * acc_d
                 + _W_STAT * acc_s + _W_COMP * acc_c) * scale
    pltpu.async_copy(outv, out_hbm.at[pl.ds(wid * _L, _L)], sem_x).wait()


@jax.jit
def _run(x_hat, lam_hat, vals_f, rc_f, b_f, c_f):
    mesh = plsc.VectorSubcoreMesh(core_axis_name="c", subcore_axis_name="s",
                                  num_cores=_NC, num_subcores=_NS)
    kern = pl.kernel(
        _sc_kkt,
        out_type=jax.ShapeDtypeStruct((_NW * _L,), jnp.float32),
        mesh=mesh,
        scratch_types=[
            pltpu.VMEM((_CH,), jnp.float32),
            pltpu.VMEM((_CH,), jnp.int32),
            pltpu.VMEM((_N,), jnp.float32),
            pltpu.VMEM((_M,), jnp.float32),
            pltpu.VMEM((_M,), jnp.float32),
            pltpu.VMEM((_N,), jnp.float32),
            pltpu.VMEM((_TPG, _SLICE), jnp.float32),
            pltpu.VMEM((_TPG, _SLICE), jnp.float32),
            pltpu.VMEM((_SLICE,), jnp.float32),
            pltpu.VMEM((_SLICE,), jnp.float32),
            pltpu.VMEM((_L,), jnp.float32),
            pltpu.VMEM_SHARED((_NS, _M), jnp.float32),
            pltpu.VMEM_SHARED((_NS, _N), jnp.float32),
            pltpu.VMEM_SHARED((2, _N), jnp.float32),
            pltpu.VMEM_SHARED((2, _M), jnp.float32),
            pltpu.SemaphoreType.DMA,
            pltpu.SemaphoreType.DMA,
            pltpu.SemaphoreType.DMA,
        ],
        compiler_params=pltpu.CompilerParams(needs_layout_passes=False),
    )
    out = kern(x_hat, lam_hat, vals_f, rc_f, b_f, c_f)
    return jnp.sum(out)


def kernel(x_hat, lam_hat, A_vals, A_rows, A_cols, b_pad, c_pad):
    pad = _NNZ_PAD - _NNZ
    vals_f = jnp.pad(A_vals, ((0, 0), (0, pad))).reshape(-1)
    rc = A_rows.astype(jnp.int32) | (A_cols.astype(jnp.int32) << 16)
    rc_f = jnp.pad(rc, ((0, 0), (0, pad))).reshape(-1)
    return _run(x_hat.astype(jnp.float32), lam_hat.astype(jnp.float32),
                vals_f, rc_f,
                b_pad.reshape(-1).astype(jnp.float32),
                c_pad.reshape(-1).astype(jnp.float32))

# --- scband reference (transcript-rebuilt; emitter-appended) ---
"""Pipeline reference for scband-kktloss-16819091931477 (READ-ONLY COPY).

The authoritative reference and input builder live on the scoring server;
editing this copy changes nothing except your own understanding.
"""

import jax, jax.numpy as jnp
import numpy as np

B, M, N = 4, 4096, 4096
DENSITY = 0.01
NNZ = int(M * N * DENSITY)  # 167772 nonzeros per problem

W_PRIMAL, W_DUAL, W_STAT, W_COMP = 0.1, 0.1, 0.6, 0.2


def setup_inputs(seed: int = 0) -> dict:
    key = jax.random.key(seed)
    ks = jax.random.split(key, 8)
    return {
        "x_hat": jax.random.normal(ks[0], (B * N,), dtype=jnp.float32),
        "lam_hat": jax.random.normal(ks[1], (B * M,), dtype=jnp.float32),
        "A_vals": jax.random.normal(ks[2], (B, NNZ), dtype=jnp.float32),
        "A_rows": jax.random.randint(ks[3], (B, NNZ), 0, M),
        "A_cols": jax.random.randint(ks[4], (B, NNZ), 0, N),
        "b_pad": jax.random.normal(ks[5], (B, M), dtype=jnp.float32),
        "c_pad": jax.random.normal(ks[6], (B, N), dtype=jnp.float32),
    }


def reference(x_hat, lam_hat, A_vals, A_rows, A_cols, b_pad, c_pad):
    # Batch of B independent LP KKT residual problems, A_i stored as COO.
    x = x_hat.reshape(B, N).astype(jnp.float32)
    lam = lam_hat.reshape(B, M).astype(jnp.float32)

    def per_problem(vals, rows, cols, xi, lami, bi, ci):
        # A @ x  : gather x at col indices, scatter-add into rows (SparseCore spmv)
        Ax = jax.ops.segment_sum(vals * xi[cols], rows, num_segments=M)
        # A.T @ lam : gather lam at row indices, scatter-add into cols
        At_lam = jax.ops.segment_sum(vals * lami[rows], cols, num_segments=N)
        Ax_minus_b = Ax - bi
        primal = jnp.mean(jax.nn.relu(Ax_minus_b) ** 2)
        dual = jnp.mean(jax.nn.relu(-lami) ** 2)
        station = jnp.mean((At_lam + ci) ** 2)
        compl = jnp.mean((lami * Ax_minus_b) ** 2)
        return primal, dual, station, compl

    p, d, s, c = jax.vmap(per_problem)(A_vals, A_rows, A_cols, x, lam, b_pad, c_pad)
    inv_B = 1.0 / float(B)
    total = (W_PRIMAL * jnp.sum(p) * inv_B
             + W_DUAL * jnp.sum(d) * inv_B
             + W_STAT * jnp.sum(s) * inv_B
             + W_COMP * jnp.sum(c) * inv_B)
    return total  # reduction='mean'

if __name__ == "__main__":
    import jax
    _d = setup_inputs()
    print(jax.jit(kernel)(*tuple(_d.values())))

</pallas_src>

<mosaic_0001>
#map = affine_map<(d0, d1) -> (0)>
module attributes {stable_mosaic.version = 14 : i64} {
  func.func @_sc_kkt(%arg0: i32, %arg1: i32, %arg2: memref<16384xf32, #tpu.memory_space<hbm>>, %arg3: memref<16384xf32, #tpu.memory_space<hbm>>, %arg4: memref<671744xf32, #tpu.memory_space<hbm>>, %arg5: memref<671744xi32, #tpu.memory_space<hbm>>, %arg6: memref<16384xf32, #tpu.memory_space<hbm>>, %arg7: memref<16384xf32, #tpu.memory_space<hbm>>, %arg8: memref<512xf32, #tpu.memory_space<hbm>>, %arg9: memref<20992xf32, #tpu.memory_space<vmem>>, %arg10: memref<20992xi32, #tpu.memory_space<vmem>>, %arg11: memref<4096xf32, #tpu.memory_space<vmem>>, %arg12: memref<4096xf32, #tpu.memory_space<vmem>>, %arg13: memref<4096xf32, #tpu.memory_space<vmem>>, %arg14: memref<4096xf32, #tpu.memory_space<vmem>>, %arg15: memref<8x512xf32, #tpu.memory_space<vmem>>, %arg16: memref<8x512xf32, #tpu.memory_space<vmem>>, %arg17: memref<512xf32, #tpu.memory_space<vmem>>, %arg18: memref<512xf32, #tpu.memory_space<vmem>>, %arg19: memref<16xf32, #tpu.memory_space<vmem>>, %arg20: memref<16x4096xf32, #tpu.memory_space<vmem_shared>>, %arg21: memref<16x4096xf32, #tpu.memory_space<vmem_shared>>, %arg22: memref<2x4096xf32, #tpu.memory_space<vmem_shared>>, %arg23: memref<2x4096xf32, #tpu.memory_space<vmem_shared>>, %arg24: memref<!tpu.dma_semaphore, #tpu.memory_space<semaphore_mem>>, %arg25: memref<!tpu.dma_semaphore, #tpu.memory_space<semaphore_mem>>, %arg26: memref<!tpu.dma_semaphore, #tpu.memory_space<semaphore_mem>>) attributes {dimension_semantics = [#tpu.dimension_semantics<core_parallel>, #tpu.dimension_semantics<subcore_parallel>], iteration_bounds = array<i64: 2, 16>, scalar_prefetch = 0 : i64, scratch_operands = 18 : i64, tpu.core_type = #tpu.core_type<sc_vector_subcore>, window_params = [{transform_indices = #map}, {transform_indices = #map}, {transform_indices = #map}, {transform_indices = #map}, {transform_indices = #map}, {transform_indices = #map}, {transform_indices = #map}]} {
    %mul3A = arith.constant 2 : i32
    %mul3A_0 = arith.muli %arg0, %mul3A : i32
    %jit3A = arith.constant 8 : i32
    %div3A = arith.divsi %arg1, %jit3A : i32
    %sign3A = arith.constant 0 : i32
    %sign3A_1 = arith.cmpi sgt, %arg1, %sign3A : i32
    %sign3A_2 = arith.extui %sign3A_1 : i1 to i32
    %sign3A_3 = arith.constant 0 : i32
    %sign3A_4 = arith.cmpi slt, %arg1, %sign3A_3 : i32
    %sign3A_5 = arith.extui %sign3A_4 : i1 to i32
    %sign3A_6 = arith.subi %sign3A_2, %sign3A_5 : i32
    %sign3A_7 = arith.constant 0 : i32
    %sign3A_8 = arith.cmpi sgt, %jit3A, %sign3A_7 : i32
    %sign3A_9 = arith.extui %sign3A_8 : i1 to i32
    %sign3A_10 = arith.constant 0 : i32
    %sign3A_11 = arith.cmpi slt, %jit3A, %sign3A_10 : i32
    %sign3A_12 = arith.extui %sign3A_11 : i1 to i32
    %sign3A_13 = arith.subi %sign3A_9, %sign3A_12 : i32
    %ne3A = arith.cmpi ne, %sign3A_6, %sign3A_13 : i32
    %rem3A = arith.remsi %arg1, %jit3A : i32
    %ne3A_14 = arith.constant 0 : i32
    %ne3A_15 = arith.cmpi ne, %rem3A, %ne3A_14 : i32
    %and3A = arith.andi %ne3A, %ne3A_15 : i1
    %sub3A = arith.constant 1 : i32
    %sub3A_16 = arith.subi %div3A, %sub3A : i32
    %select_n3A = arith.select %and3A, %sub3A_16, %div3A : i32
    %add3A = arith.addi %mul3A_0, %select_n3A : i32
    %jit3A_17 = arith.constant 8 : i32
    %eq3A = arith.constant 0 : i32
    %eq3A_18 = arith.cmpi eq, %jit3A_17, %eq3A : i32
    %jit3A_19 = arith.constant 1 : i32
    %select_n3A_20 = arith.select %eq3A_18, %jit3A_19, %jit3A_17 : i32
    %rem3A_21 = arith.remsi %arg1, %select_n3A_20 : i32
    %ne3A_22 = arith.constant 0 : i32
    %ne3A_23 = arith.cmpi ne, %rem3A_21, %ne3A_22 : i32
    %lt3A = arith.constant 0 : i32
    %lt3A_24 = arith.cmpi slt, %rem3A_21, %lt3A : i32
    %lt3A_25 = arith.constant 0 : i32
    %lt3A_26 = arith.cmpi slt, %select_n3A_20, %lt3A_25 : i32
    %ne3A_27 = arith.xori %lt3A_24, %lt3A_26 : i1
    %and3A_28 = arith.andi %ne3A_27, %ne3A_23 : i1
    %add3A_29 = arith.addi %rem3A_21, %select_n3A_20 : i32
    %select_n3A_30 = arith.select %and3A_28, %add3A_29, %rem3A_21 : i32
    %jit3A_31 = arith.constant 8 : i32
    %div3A_32 = arith.divsi %arg1, %jit3A_31 : i32
    %sign3A_33 = arith.constant 0 : i32
    %sign3A_34 = arith.cmpi sgt, %arg1, %sign3A_33 : i32
    %sign3A_35 = arith.extui %sign3A_34 : i1 to i32
    %sign3A_36 = arith.constant 0 : i32
    %sign3A_37 = arith.cmpi slt, %arg1, %sign3A_36 : i32
    %sign3A_38 = arith.extui %sign3A_37 : i1 to i32
    %sign3A_39 = arith.subi %sign3A_35, %sign3A_38 : i32
    %sign3A_40 = arith.constant 0 : i32
    %sign3A_41 = arith.cmpi sgt, %jit3A_31, %sign3A_40 : i32
    %sign3A_42 = arith.extui %sign3A_41 : i1 to i32
    %sign3A_43 = arith.constant 0 : i32
    %sign3A_44 = arith.cmpi slt, %jit3A_31, %sign3A_43 : i32
    %sign3A_45 = arith.extui %sign3A_44 : i1 to i32
    %sign3A_46 = arith.subi %sign3A_42, %sign3A_45 : i32
    %ne3A_47 = arith.cmpi ne, %sign3A_39, %sign3A_46 : i32
    %rem3A_48 = arith.remsi %arg1, %jit3A_31 : i32
    %ne3A_49 = arith.constant 0 : i32
    %ne3A_50 = arith.cmpi ne, %rem3A_48, %ne3A_49 : i32
    %and3A_51 = arith.andi %ne3A_47, %ne3A_50 : i1
    %sub3A_52 = arith.constant 1 : i32
    %sub3A_53 = arith.subi %div3A_32, %sub3A_52 : i32
    %select_n3A_54 = arith.select %and3A_51, %sub3A_53, %div3A_32 : i32
    %mul3A_55 = arith.constant 8 : i32
    %mul3A_56 = arith.muli %select_n3A_54, %mul3A_55 : i32
    %mul3A_57 = arith.constant 16 : i32
    %mul3A_58 = arith.muli %arg0, %mul3A_57 : i32
    %add3A_59 = arith.addi %mul3A_58, %arg1 : i32
    %jit3A_60 = arith.constant 8 : i32
    %div3A_61 = arith.divsi %arg1, %jit3A_60 : i32
    %sign3A_62 = arith.constant 0 : i32
    %sign3A_63 = arith.cmpi sgt, %arg1, %sign3A_62 : i32
    %sign3A_64 = arith.extui %sign3A_63 : i1 to i32
    %sign3A_65 = arith.constant 0 : i32
    %sign3A_66 = arith.cmpi slt, %arg1, %sign3A_65 : i32
    %sign3A_67 = arith.extui %sign3A_66 : i1 to i32
    %sign3A_68 = arith.subi %sign3A_64, %sign3A_67 : i32
    %sign3A_69 = arith.constant 0 : i32
    %sign3A_70 = arith.cmpi sgt, %jit3A_60, %sign3A_69 : i32
    %sign3A_71 = arith.extui %sign3A_70 : i1 to i32
    %sign3A_72 = arith.constant 0 : i32
    %sign3A_73 = arith.cmpi slt, %jit3A_60, %sign3A_72 : i32
    %sign3A_74 = arith.extui %sign3A_73 : i1 to i32
    %sign3A_75 = arith.subi %sign3A_71, %sign3A_74 : i32
    %ne3A_76 = arith.cmpi ne, %sign3A_68, %sign3A_75 : i32
    %rem3A_77 = arith.remsi %arg1, %jit3A_60 : i32
    %ne3A_78 = arith.constant 0 : i32
    %ne3A_79 = arith.cmpi ne, %rem3A_77, %ne3A_78 : i32
    %and3A_80 = arith.andi %ne3A_76, %ne3A_79 : i1
    %sub3A_81 = arith.constant 1 : i32
    %sub3A_82 = arith.subi %div3A_61, %sub3A_81 : i32
    %select_n3A_83 = arith.select %and3A_80, %sub3A_82, %div3A_61 : i32
    %mul3A_84 = arith.constant 167936 : i32
    %mul3A_85 = arith.muli %add3A, %mul3A_84 : i32
    %mul3A_86 = arith.constant 20992 : i32
    %mul3A_87 = arith.muli %select_n3A_30, %mul3A_86 : i32
    %add3A_88 = arith.addi %mul3A_85, %mul3A_87 : i32
    %eq3A_89 = arith.constant 0 : i32
    %eq3A_90 = arith.cmpi eq, %select_n3A_30, %eq3A_89 : i32
    %convert_element_type3A = arith.extui %eq3A_90 : i1 to i32
    %cond3A = arith.constant 0 : i32
    %cond3A_91 = arith.cmpi ne, %convert_element_type3A, %cond3A : i32
    scf.if %cond3A_91 {
      %mul3A_315 = arith.constant 4096 : i32
      %mul3A_316 = arith.muli %add3A, %mul3A_315 : i32
      %dma_start3A_317 = arith.constant 0 : i32
      %dma_start3A_318 = tpu.memref_slice %arg22[%select_n3A_83, %dma_start3A_317] : memref<2x4096xf32, #tpu.memory_space<vmem_shared>> -> memref<1x4096xf32, #tpu.memory_space<vmem_shared>>
      %dma_start3A_319 = tpu.memref_squeeze %dma_start3A_318 : memref<1x4096xf32, #tpu.memory_space<vmem_shared>> -> memref<4096xf32, #tpu.memory_space<vmem_shared>>
      %dma_start3A_320 = tpu.memref_slice %arg2[%mul3A_316] : memref<16384xf32, #tpu.memory_space<hbm>> -> memref<4096xf32, #tpu.memory_space<hbm>>
      tpu.enqueue_dma source(%dma_start3A_320 : memref<4096xf32, #tpu.memory_space<hbm>>) target(%dma_start3A_319 : memref<4096xf32, #tpu.memory_space<vmem_shared>>) target_semaphore(%arg26 : memref<!tpu.dma_semaphore, #tpu.memory_space<semaphore_mem>>)
      %mul3A_321 = arith.constant 4096 : i32
      %mul3A_322 = arith.muli %add3A, %mul3A_321 : i32
      %dma_start3A_323 = arith.constant 0 : i32
      %dma_start3A_324 = tpu.memref_slice %arg23[%select_n3A_83, %dma_start3A_323] : memref<2x4096xf32, #tpu.memory_space<vmem_shared>> -> memref<1x4096xf32, #tpu.memory_space<vmem_shared>>
      %dma_start3A_325 = tpu.memref_squeeze %dma_start3A_324 : memref<1x4096xf32, #tpu.memory_space<vmem_shared>> -> memref<4096xf32, #tpu.memory_space<vmem_shared>>
      %dma_start3A_326 = tpu.memref_slice %arg3[%mul3A_322] : memref<16384xf32, #tpu.memory_space<hbm>> -> memref<4096xf32, #tpu.memory_space<hbm>>
      tpu.enqueue_dma source(%dma_start3A_326 : memref<4096xf32, #tpu.memory_space<hbm>>) target(%dma_start3A_325 : memref<4096xf32, #tpu.memory_space<vmem_shared>>) target_semaphore(%arg26 : memref<!tpu.dma_semaphore, #tpu.memory_space<semaphore_mem>>)
    } else {
    }
    %mul3A_92 = arith.constant 4096 : i32
    %mul3A_93 = arith.muli %add3A, %mul3A_92 : i32
    %mul3A_94 = arith.constant 512 : i32
    %mul3A_95 = arith.muli %select_n3A_30, %mul3A_94 : i32
    %add3A_96 = arith.addi %mul3A_93, %mul3A_95 : i32
    %dma_start3A = tpu.memref_slice %arg6[%add3A_96] : memref<16384xf32, #tpu.memory_space<hbm>> -> memref<512xf32, #tpu.memory_space<hbm>>
    %dma_start3A_97 = tpu.memref_slice %arg6[%add3A_96] : memref<16384xf32, #tpu.memory_space<hbm>> -> memref<512xf32, #tpu.memory_space<hbm>>
    tpu.enqueue_dma source(%dma_start3A_97 : memref<512xf32, #tpu.memory_space<hbm>>) target(%arg17 : memref<512xf32, #tpu.memory_space<vmem>>) target_semaphore(%arg26 : memref<!tpu.dma_semaphore, #tpu.memory_space<semaphore_mem>>)
    %mul3A_98 = arith.constant 4096 : i32
    %mul3A_99 = arith.muli %add3A, %mul3A_98 : i32
    %mul3A_100 = arith.constant 512 : i32
    %mul3A_101 = arith.muli %select_n3A_30, %mul3A_100 : i32
    %add3A_102 = arith.addi %mul3A_99, %mul3A_101 : i32
    %dma_start3A_103 = tpu.memref_slice %arg7[%add3A_102] : memref<16384xf32, #tpu.memory_space<hbm>> -> memref<512xf32, #tpu.memory_space<hbm>>
    %dma_start3A_104 = tpu.memref_slice %arg7[%add3A_102] : memref<16384xf32, #tpu.memory_space<hbm>> -> memref<512xf32, #tpu.memory_space<hbm>>
    tpu.enqueue_dma source(%dma_start3A_104 : memref<512xf32, #tpu.memory_space<hbm>>) target(%arg18 : memref<512xf32, #tpu.memory_space<vmem>>) target_semaphore(%arg26 : memref<!tpu.dma_semaphore, #tpu.memory_space<semaphore_mem>>)
    %add3A_105 = arith.constant 0 : i32
    %add3A_106 = arith.addi %add3A_88, %add3A_105 : i32
    %dma_start3A_107 = arith.constant 0 : i32
    %dma_start3A_108 = tpu.memref_slice %arg9[%dma_start3A_107] : memref<20992xf32, #tpu.memory_space<vmem>> -> memref<5248xf32, #tpu.memory_space<vmem>>
    %dma_start3A_109 = tpu.memref_slice %arg4[%add3A_106] : memref<671744xf32, #tpu.memory_space<hbm>> -> memref<5248xf32, #tpu.memory_space<hbm>>
    %dma_start3A_110 = arith.constant 0 : i32
    %dma_start3A_111 = tpu.memref_slice %arg9[%dma_start3A_110] : memref<20992xf32, #tpu.memory_space<vmem>> -> memref<5248xf32, #tpu.memory_space<vmem>>
    %dma_start3A_112 = tpu.memref_slice %arg4[%add3A_106] : memref<671744xf32, #tpu.memory_space<hbm>> -> memref<5248xf32, #tpu.memory_space<hbm>>
    tpu.enqueue_dma source(%dma_start3A_112 : memref<5248xf32, #tpu.memory_space<hbm>>) target(%dma_start3A_111 : memref<5248xf32, #tpu.memory_space<vmem>>) target_semaphore(%arg24 : memref<!tpu.dma_semaphore, #tpu.memory_space<semaphore_mem>>)
    %dma_start3A_113 = arith.constant 0 : i32
    %dma_start3A_114 = tpu.memref_slice %arg10[%dma_start3A_113] : memref<20992xi32, #tpu.memory_space<vmem>> -> memref<5248xi32, #tpu.memory_space<vmem>>
    %dma_start3A_115 = tpu.memref_slice %arg5[%add3A_106] : memref<671744xi32, #tpu.memory_space<hbm>> -> memref<5248xi32, #tpu.memory_space<hbm>>
    %dma_start3A_116 = arith.constant 0 : i32
    %dma_start3A_117 = tpu.memref_slice %arg10[%dma_start3A_116] : memref<20992xi32, #tpu.memory_space<vmem>> -> memref<5248xi32, #tpu.memory_space<vmem>>
    %dma_start3A_118 = tpu.memref_slice %arg5[%add3A_106] : memref<671744xi32, #tpu.memory_space<hbm>> -> memref<5248xi32, #tpu.memory_space<hbm>>
    tpu.enqueue_dma source(%dma_start3A_118 : memref<5248xi32, #tpu.memory_space<hbm>>) target(%dma_start3A_117 : memref<5248xi32, #tpu.memory_space<vmem>>) target_semaphore(%arg24 : memref<!tpu.dma_semaphore, #tpu.memory_space<semaphore_mem>>)
    %broadcast_in_dim3A = arith.constant 0.000000e+00 : f32
    %broadcast_in_dim3A_119 = vector.broadcast %broadcast_in_dim3A : f32 to vector<16xf32>
    %parallel_loop3A = arith.constant 0 : i32
    %parallel_loop3A_120 = arith.constant 4096 : i32
    %parallel_loop3A_121 = arith.constant 16 : i32
    "tpu.trace_start"() <{level = 10 : i32, message = "p0_zero"}> : () -> ()
    scf.for %parallel_loop3A_315 = %parallel_loop3A to %parallel_loop3A_120 step %parallel_loop3A_121  : i32 {
      %parallel_loop3A_316 = arith.index_cast %parallel_loop3A_315 : i32 to index
      %parallel_loop3A_317 = tpu.vector_load %arg13[%parallel_loop3A_316] {strides = array<i32>} : memref<4096xf32, #tpu.memory_space<vmem>>, vector<16xf32>,
      tpu.vector_store %arg13[%parallel_loop3A_316], %broadcast_in_dim3A_119 {strides = array<i32>} : memref<4096xf32, #tpu.memory_space<vmem>>, vector<16xf32>,
      %parallel_loop3A_318 = arith.index_cast %parallel_loop3A_315 : i32 to index
      %parallel_loop3A_319 = tpu.vector_load %arg14[%parallel_loop3A_318] {strides = array<i32>} : memref<4096xf32, #tpu.memory_space<vmem>>, vector<16xf32>,
      tpu.vector_store %arg14[%parallel_loop3A_318], %broadcast_in_dim3A_119 {strides = array<i32>} : memref<4096xf32, #tpu.memory_space<vmem>>, vector<16xf32>,
    } {sc.loop_unroll_factor = 8 : i64, sc.parallel_access}
    %eq3A_122 = arith.constant 0 : i32
    "tpu.trace_stop"() : () -> ()
    "tpu.trace_start"() <{level = 10 : i32, message = "p0_bcast"}> : () -> ()
    %eq3A_123 = arith.cmpi eq, %select_n3A_30, %eq3A_122 : i32
    %convert_element_type3A_124 = arith.extui %eq3A_123 : i1 to i32
    %cond3A_125 = arith.constant 0 : i32
    %cond3A_126 = arith.cmpi ne, %convert_element_type3A_124, %cond3A_125 : i32
    scf.if %cond3A_126 {
      %mul3A_315 = arith.constant 4096 : i32
      %mul3A_316 = arith.muli %add3A, %mul3A_315 : i32
      %dma_wait3A_317 = arith.constant 0 : i32
      %dma_wait3A_318 = tpu.memref_slice %arg22[%select_n3A_83, %dma_wait3A_317] : memref<2x4096xf32, #tpu.memory_space<vmem_shared>> -> memref<1x4096xf32, #tpu.memory_space<vmem_shared>>
      %dma_wait3A_319 = tpu.memref_squeeze %dma_wait3A_318 : memref<1x4096xf32, #tpu.memory_space<vmem_shared>> -> memref<4096xf32, #tpu.memory_space<vmem_shared>>
      %dma_wait3A_320 = tpu.memref_slice %arg2[%mul3A_316] : memref<16384xf32, #tpu.memory_space<hbm>> -> memref<4096xf32, #tpu.memory_space<hbm>>
      tpu.wait_dma2 semaphore(%arg26 : memref<!tpu.dma_semaphore, #tpu.memory_space<semaphore_mem>>) src(%dma_wait3A_320 : memref<4096xf32, #tpu.memory_space<hbm>>) dst(%dma_wait3A_319 : memref<4096xf32, #tpu.memory_space<vmem_shared>>)
      %mul3A_321 = arith.constant 4096 : i32
      %mul3A_322 = arith.muli %add3A, %mul3A_321 : i32
      %dma_wait3A_323 = arith.constant 0 : i32
      %dma_wait3A_324 = tpu.memref_slice %arg23[%select_n3A_83, %dma_wait3A_323] : memref<2x4096xf32, #tpu.memory_space<vmem_shared>> -> memref<1x4096xf32, #tpu.memory_space<vmem_shared>>
      %dma_wait3A_325 = tpu.memref_squeeze %dma_wait3A_324 : memref<1x4096xf32, #tpu.memory_space<vmem_shared>> -> memref<4096xf32, #tpu.memory_space<vmem_shared>>
      %dma_wait3A_326 = tpu.memref_slice %arg3[%mul3A_322] : memref<16384xf32, #tpu.memory_space<hbm>> -> memref<4096xf32, #tpu.memory_space<hbm>>
      tpu.wait_dma2 semaphore(%arg26 : memref<!tpu.dma_semaphore, #tpu.memory_space<semaphore_mem>>) src(%dma_wait3A_326 : memref<4096xf32, #tpu.memory_space<hbm>>) dst(%dma_wait3A_325 : memref<4096xf32, #tpu.memory_space<vmem_shared>>)
    } else {
    }
    %barrier3A = arith.constant 0 : index
    tpu.barrier barrier_id(%barrier3A)
    %dma_start3A_127 = arith.constant 0 : i32
    %dma_start3A_128 = tpu.memref_slice %arg22[%select_n3A_83, %dma_start3A_127] : memref<2x4096xf32, #tpu.memory_space<vmem_shared>> -> memref<1x4096xf32, #tpu.memory_space<vmem_shared>>
    %dma_start3A_129 = tpu.memref_squeeze %dma_start3A_128 : memref<1x4096xf32, #tpu.memory_space<vmem_shared>> -> memref<4096xf32, #tpu.memory_space<vmem_shared>>
    %dma_start3A_130 = arith.constant 0 : i32
    %dma_start3A_131 = tpu.memref_slice %arg22[%select_n3A_83, %dma_start3A_130] : memref<2x4096xf32, #tpu.memory_space<vmem_shared>> -> memref<1x4096xf32, #tpu.memory_space<vmem_shared>>
    %dma_start3A_132 = tpu.memref_squeeze %dma_start3A_131 : memref<1x4096xf32, #tpu.memory_space<vmem_shared>> -> memref<4096xf32, #tpu.memory_space<vmem_shared>>
    tpu.enqueue_dma source(%dma_start3A_132 : memref<4096xf32, #tpu.memory_space<vmem_shared>>) target(%arg11 : memref<4096xf32, #tpu.memory_space<vmem>>) target_semaphore(%arg26 : memref<!tpu.dma_semaphore, #tpu.memory_space<semaphore_mem>>)
    %dma_start3A_133 = arith.constant 0 : i32
    %dma_start3A_134 = tpu.memref_slice %arg23[%select_n3A_83, %dma_start3A_133] : memref<2x4096xf32, #tpu.memory_space<vmem_shared>> -> memref<1x4096xf32, #tpu.memory_space<vmem_shared>>
    %dma_start3A_135 = tpu.memref_squeeze %dma_start3A_134 : memref<1x4096xf32, #tpu.memory_space<vmem_shared>> -> memref<4096xf32, #tpu.memory_space<vmem_shared>>
    %dma_start3A_136 = arith.constant 0 : i32
    %dma_start3A_137 = tpu.memref_slice %arg23[%select_n3A_83, %dma_start3A_136] : memref<2x4096xf32, #tpu.memory_space<vmem_shared>> -> memref<1x4096xf32, #tpu.memory_space<vmem_shared>>
    %dma_start3A_138 = tpu.memref_squeeze %dma_start3A_137 : memref<1x4096xf32, #tpu.memory_space<vmem_shared>> -> memref<4096xf32, #tpu.memory_space<vmem_shared>>
    tpu.enqueue_dma source(%dma_start3A_138 : memref<4096xf32, #tpu.memory_space<vmem_shared>>) target(%arg12 : memref<4096xf32, #tpu.memory_space<vmem>>) target_semaphore(%arg26 : memref<!tpu.dma_semaphore, #tpu.memory_space<semaphore_mem>>)
    %dma_wait3A = arith.constant 0 : i32
    %dma_wait3A_139 = tpu.memref_slice %arg22[%select_n3A_83, %dma_wait3A] : memref<2x4096xf32, #tpu.memory_space<vmem_shared>> -> memref<1x4096xf32, #tpu.memory_space<vmem_shared>>
    %dma_wait3A_140 = tpu.memref_squeeze %dma_wait3A_139 : memref<1x4096xf32, #tpu.memory_space<vmem_shared>> -> memref<4096xf32, #tpu.memory_space<vmem_shared>>
    %dma_wait3A_141 = arith.constant 0 : i32
    %dma_wait3A_142 = tpu.memref_slice %arg22[%select_n3A_83, %dma_wait3A_141] : memref<2x4096xf32, #tpu.memory_space<vmem_shared>> -> memref<1x4096xf32, #tpu.memory_space<vmem_shared>>
    %dma_wait3A_143 = tpu.memref_squeeze %dma_wait3A_142 : memref<1x4096xf32, #tpu.memory_space<vmem_shared>> -> memref<4096xf32, #tpu.memory_space<vmem_shared>>
    tpu.wait_dma2 semaphore(%arg26 : memref<!tpu.dma_semaphore, #tpu.memory_space<semaphore_mem>>) src(%dma_wait3A_143 : memref<4096xf32, #tpu.memory_space<vmem_shared>>) dst(%arg11 : memref<4096xf32, #tpu.memory_space<vmem>>)
    %dma_wait3A_144 = arith.constant 0 : i32
    %dma_wait3A_145 = tpu.memref_slice %arg23[%select_n3A_83, %dma_wait3A_144] : memref<2x4096xf32, #tpu.memory_space<vmem_shared>> -> memref<1x4096xf32, #tpu.memory_space<vmem_shared>>
    %dma_wait3A_146 = tpu.memref_squeeze %dma_wait3A_145 : memref<1x4096xf32, #tpu.memory_space<vmem_shared>> -> memref<4096xf32, #tpu.memory_space<vmem_shared>>
    %dma_wait3A_147 = arith.constant 0 : i32
    %dma_wait3A_148 = tpu.memref_slice %arg23[%select_n3A_83, %dma_wait3A_147] : memref<2x4096xf32, #tpu.memory_space<vmem_shared>> -> memref<1x4096xf32, #tpu.memory_space<vmem_shared>>
    %dma_wait3A_149 = tpu.memref_squeeze %dma_wait3A_148 : memref<1x4096xf32, #tpu.memory_space<vmem_shared>> -> memref<4096xf32, #tpu.memory_space<vmem_shared>>
    tpu.wait_dma2 semaphore(%arg26 : memref<!tpu.dma_semaphore, #tpu.memory_space<semaphore_mem>>) src(%dma_wait3A_149 : memref<4096xf32, #tpu.memory_space<vmem_shared>>) dst(%arg12 : memref<4096xf32, #tpu.memory_space<vmem>>)
    "tpu.trace_stop"() : () -> ()
    "tpu.trace_start"() <{level = 10 : i32, message = "p0_wait"}> : () -> ()
    %dma_wait3A_150 = arith.constant 0 : i32
    %dma_wait3A_151 = tpu.memref_slice %arg9[%dma_wait3A_150] : memref<20992xf32, #tpu.memory_space<vmem>> -> memref<5248xf32, #tpu.memory_space<vmem>>
    %dma_wait3A_152 = tpu.memref_slice %arg4[%add3A_106] : memref<671744xf32, #tpu.memory_space<hbm>> -> memref<5248xf32, #tpu.memory_space<hbm>>
    %dma_wait3A_153 = arith.constant 0 : i32
    %dma_wait3A_154 = tpu.memref_slice %arg9[%dma_wait3A_153] : memref<20992xf32, #tpu.memory_space<vmem>> -> memref<5248xf32, #tpu.memory_space<vmem>>
    %dma_wait3A_155 = tpu.memref_slice %arg4[%add3A_106] : memref<671744xf32, #tpu.memory_space<hbm>> -> memref<5248xf32, #tpu.memory_space<hbm>>
    tpu.wait_dma2 semaphore(%arg24 : memref<!tpu.dma_semaphore, #tpu.memory_space<semaphore_mem>>) src(%dma_wait3A_155 : memref<5248xf32, #tpu.memory_space<hbm>>) dst(%dma_wait3A_154 : memref<5248xf32, #tpu.memory_space<vmem>>)
    %dma_wait3A_156 = arith.constant 0 : i32
    %dma_wait3A_157 = tpu.memref_slice %arg10[%dma_wait3A_156] : memref<20992xi32, #tpu.memory_space<vmem>> -> memref<5248xi32, #tpu.memory_space<vmem>>
    %dma_wait3A_158 = tpu.memref_slice %arg5[%add3A_106] : memref<671744xi32, #tpu.memory_space<hbm>> -> memref<5248xi32, #tpu.memory_space<hbm>>
    %dma_wait3A_159 = arith.constant 0 : i32
    %dma_wait3A_160 = tpu.memref_slice %arg10[%dma_wait3A_159] : memref<20992xi32, #tpu.memory_space<vmem>> -> memref<5248xi32, #tpu.memory_space<vmem>>
    %dma_wait3A_161 = tpu.memref_slice %arg5[%add3A_106] : memref<671744xi32, #tpu.memory_space<hbm>> -> memref<5248xi32, #tpu.memory_space<hbm>>
    tpu.wait_dma2 semaphore(%arg24 : memref<!tpu.dma_semaphore, #tpu.memory_space<semaphore_mem>>) src(%dma_wait3A_161 : memref<5248xi32, #tpu.memory_space<hbm>>) dst(%dma_wait3A_160 : memref<5248xi32, #tpu.memory_space<vmem>>)
    "tpu.trace_stop"() : () -> ()
    %add3A_162 = arith.constant 5248 : i32
    %add3A_163 = arith.addi %add3A_88, %add3A_162 : i32
    %dma_start3A_164 = arith.constant 5248 : i32
    %dma_start3A_165 = tpu.memref_slice %arg9[%dma_start3A_164] : memref<20992xf32, #tpu.memory_space<vmem>> -> memref<5248xf32, #tpu.memory_space<vmem>>
    %dma_start3A_166 = tpu.memref_slice %arg4[%add3A_163] : memref<671744xf32, #tpu.memory_space<hbm>> -> memref<5248xf32, #tpu.memory_space<hbm>>
    %dma_start3A_167 = arith.constant 5248 : i32
    %dma_start3A_168 = tpu.memref_slice %arg9[%dma_start3A_167] : memref<20992xf32, #tpu.memory_space<vmem>> -> memref<5248xf32, #tpu.memory_space<vmem>>
    %dma_start3A_169 = tpu.memref_slice %arg4[%add3A_163] : memref<671744xf32, #tpu.memory_space<hbm>> -> memref<5248xf32, #tpu.memory_space<hbm>>
    tpu.enqueue_dma source(%dma_start3A_169 : memref<5248xf32, #tpu.memory_space<hbm>>) target(%dma_start3A_168 : memref<5248xf32, #tpu.memory_space<vmem>>) target_semaphore(%arg25 : memref<!tpu.dma_semaphore, #tpu.memory_space<semaphore_mem>>)
    %dma_start3A_170 = arith.constant 5248 : i32
    %dma_start3A_171 = tpu.memref_slice %arg10[%dma_start3A_170] : memref<20992xi32, #tpu.memory_space<vmem>> -> memref<5248xi32, #tpu.memory_space<vmem>>
    %dma_start3A_172 = tpu.memref_slice %arg5[%add3A_163] : memref<671744xi32, #tpu.memory_space<hbm>> -> memref<5248xi32, #tpu.memory_space<hbm>>
    %dma_start3A_173 = arith.constant 5248 : i32
    %dma_start3A_174 = tpu.memref_slice %arg10[%dma_start3A_173] : memref<20992xi32, #tpu.memory_space<vmem>> -> memref<5248xi32, #tpu.memory_space<vmem>>
    %dma_start3A_175 = tpu.memref_slice %arg5[%add3A_163] : memref<671744xi32, #tpu.memory_space<hbm>> -> memref<5248xi32, #tpu.memory_space<hbm>>
    tpu.enqueue_dma source(%dma_start3A_175 : memref<5248xi32, #tpu.memory_space<hbm>>) target(%dma_start3A_174 : memref<5248xi32, #tpu.memory_space<vmem>>) target_semaphore(%arg25 : memref<!tpu.dma_semaphore, #tpu.memory_space<semaphore_mem>>)
    %add3A_176 = arith.constant 10496 : i32
    %add3A_177 = arith.addi %add3A_88, %add3A_176 : i32
    %dma_start3A_178 = arith.constant 10496 : i32
    %dma_start3A_179 = tpu.memref_slice %arg9[%dma_start3A_178] : memref<20992xf32, #tpu.memory_space<vmem>> -> memref<5248xf32, #tpu.memory_space<vmem>>
    %dma_start3A_180 = tpu.memref_slice %arg4[%add3A_177] : memref<671744xf32, #tpu.memory_space<hbm>> -> memref<5248xf32, #tpu.memory_space<hbm>>
    %dma_start3A_181 = arith.constant 10496 : i32
    %dma_start3A_182 = tpu.memref_slice %arg9[%dma_start3A_181] : memref<20992xf32, #tpu.memory_space<vmem>> -> memref<5248xf32, #tpu.memory_space<vmem>>
    %dma_start3A_183 = tpu.memref_slice %arg4[%add3A_177] : memref<671744xf32, #tpu.memory_space<hbm>> -> memref<5248xf32, #tpu.memory_space<hbm>>
    tpu.enqueue_dma source(%dma_start3A_183 : memref<5248xf32, #tpu.memory_space<hbm>>) target(%dma_start3A_182 : memref<5248xf32, #tpu.memory_space<vmem>>) target_semaphore(%arg25 : memref<!tpu.dma_semaphore, #tpu.memory_space<semaphore_mem>>)
    %dma_start3A_184 = arith.constant 10496 : i32
    %dma_start3A_185 = tpu.memref_slice %arg10[%dma_start3A_184] : memref<20992xi32, #tpu.memory_space<vmem>> -> memref<5248xi32, #tpu.memory_space<vmem>>
    %dma_start3A_186 = tpu.memref_slice %arg5[%add3A_177] : memref<671744xi32, #tpu.memory_space<hbm>> -> memref<5248xi32, #tpu.memory_space<hbm>>
    %dma_start3A_187 = arith.constant 10496 : i32
    %dma_start3A_188 = tpu.memref_slice %arg10[%dma_start3A_187] : memref<20992xi32, #tpu.memory_space<vmem>> -> memref<5248xi32, #tpu.memory_space<vmem>>
    %dma_start3A_189 = tpu.memref_slice %arg5[%add3A_177] : memref<671744xi32, #tpu.memory_space<hbm>> -> memref<5248xi32, #tpu.memory_space<hbm>>
    tpu.enqueue_dma source(%dma_start3A_189 : memref<5248xi32, #tpu.memory_space<hbm>>) target(%dma_start3A_188 : memref<5248xi32, #tpu.memory_space<vmem>>) target_semaphore(%arg25 : memref<!tpu.dma_semaphore, #tpu.memory_space<semaphore_mem>>)
    %add3A_190 = arith.constant 15744 : i32
    %add3A_191 = arith.addi %add3A_88, %add3A_190 : i32
    %dma_start3A_192 = arith.constant 15744 : i32
    %dma_start3A_193 = tpu.memref_slice %arg9[%dma_start3A_192] : memref<20992xf32, #tpu.memory_space<vmem>> -> memref<5248xf32, #tpu.memory_space<vmem>>
    %dma_start3A_194 = tpu.memref_slice %arg4[%add3A_191] : memref<671744xf32, #tpu.memory_space<hbm>> -> memref<5248xf32, #tpu.memory_space<hbm>>
    %dma_start3A_195 = arith.constant 15744 : i32
    %dma_start3A_196 = tpu.memref_slice %arg9[%dma_start3A_195] : memref<20992xf32, #tpu.memory_space<vmem>> -> memref<5248xf32, #tpu.memory_space<vmem>>
    %dma_start3A_197 = tpu.memref_slice %arg4[%add3A_191] : memref<671744xf32, #tpu.memory_space<hbm>> -> memref<5248xf32, #tpu.memory_space<hbm>>
    tpu.enqueue_dma source(%dma_start3A_197 : memref<5248xf32, #tpu.memory_space<hbm>>) target(%dma_start3A_196 : memref<5248xf32, #tpu.memory_space<vmem>>) target_semaphore(%arg25 : memref<!tpu.dma_semaphore, #tpu.memory_space<semaphore_mem>>)
    %dma_start3A_198 = arith.constant 15744 : i32
    %dma_start3A_199 = tpu.memref_slice %arg10[%dma_start3A_198] : memref<20992xi32, #tpu.memory_space<vmem>> -> memref<5248xi32, #tpu.memory_space<vmem>>
    %dma_start3A_200 = tpu.memref_slice %arg5[%add3A_191] : memref<671744xi32, #tpu.memory_space<hbm>> -> memref<5248xi32, #tpu.memory_space<hbm>>
    %dma_start3A_201 = arith.constant 15744 : i32
    %dma_start3A_202 = tpu.memref_slice %arg10[%dma_start3A_201] : memref<20992xi32, #tpu.memory_space<vmem>> -> memref<5248xi32, #tpu.memory_space<vmem>>
    %dma_start3A_203 = tpu.memref_slice %arg5[%add3A_191] : memref<671744xi32, #tpu.memory_space<hbm>> -> memref<5248xi32, #tpu.memory_space<hbm>>
    tpu.enqueue_dma source(%dma_start3A_203 : memref<5248xi32, #tpu.memory_space<hbm>>) target(%dma_start3A_202 : memref<5248xi32, #tpu.memory_space<vmem>>) target_semaphore(%arg25 : memref<!tpu.dma_semaphore, #tpu.memory_space<semaphore_mem>>)
    %parallel_loop3A_204 = arith.constant 0 : i32
    %parallel_loop3A_205 = arith.constant 5248 : i32
    %parallel_loop3A_206 = arith.constant 16 : i32
    "tpu.trace_start"() <{level = 10 : i32, message = "p1_spmm"}> : () -> ()
    scf.for %parallel_loop3A_315 = %parallel_loop3A_204 to %parallel_loop3A_205 step %parallel_loop3A_206  : i32 {
      %parallel_loop3A_316 = arith.index_cast %parallel_loop3A_315 : i32 to index
      %parallel_loop3A_317 = tpu.vector_load %arg9[%parallel_loop3A_316] {strides = array<i32>} : memref<20992xf32, #tpu.memory_space<vmem>>, vector<16xf32>,
      %parallel_loop3A_318 = arith.index_cast %parallel_loop3A_315 : i32 to index
      %parallel_loop3A_319 = tpu.vector_load %arg10[%parallel_loop3A_318] {strides = array<i32>} : memref<20992xi32, #tpu.memory_space<vmem>>, vector<16xi32>,
      %parallel_loop3A_320 = arith.constant 65535 : i32
      %parallel_loop3A_321 = vector.broadcast %parallel_loop3A_320 : i32 to vector<16xi32>
      %parallel_loop3A_322 = arith.andi %parallel_loop3A_319, %parallel_loop3A_321 : vector<16xi32>
      %parallel_loop3A_323 = arith.constant 16 : i32
      %parallel_loop3A_324 = vector.broadcast %parallel_loop3A_323 : i32 to vector<16xi32>
      %parallel_loop3A_325 = arith.shrui %parallel_loop3A_319, %parallel_loop3A_324 : vector<16xi32>
      %parallel_loop3A_326 = tpu.vector_load_idx %arg11[%parallel_loop3A_325] : memref<4096xf32, #tpu.memory_space<vmem>>[vector<16xi32>], vector<16xf32>,
      %parallel_loop3A_327 = arith.mulf %parallel_loop3A_317, %parallel_loop3A_326 : vector<16xf32>
      tpu.vector_store_idx %arg13[%parallel_loop3A_322], %parallel_loop3A_327 {add = true} : memref<4096xf32, #tpu.memory_space<vmem>>[vector<16xi32>], vector<16xf32>,
      %parallel_loop3A_328 = tpu.vector_load_idx %arg12[%parallel_loop3A_322] : memref<4096xf32, #tpu.memory_space<vmem>>[vector<16xi32>], vector<16xf32>,
      %parallel_loop3A_329 = arith.mulf %parallel_loop3A_317, %parallel_loop3A_328 : vector<16xf32>
      tpu.vector_store_idx %arg14[%parallel_loop3A_325], %parallel_loop3A_329 {add = true} : memref<4096xf32, #tpu.memory_space<vmem>>[vector<16xi32>], vector<16xf32>,
    } {sc.loop_unroll_factor = 8 : i64, sc.parallel_access}
    %dma_wait3A_207 = arith.constant 5248 : i32
    %dma_wait3A_208 = tpu.memref_slice %arg9[%dma_wait3A_207] : memref<20992xf32, #tpu.memory_space<vmem>> -> memref<5248xf32, #tpu.memory_space<vmem>>
    %dma_wait3A_209 = tpu.memref_slice %arg4[%add3A_163] : memref<671744xf32, #tpu.memory_space<hbm>> -> memref<5248xf32, #tpu.memory_space<hbm>>
    %dma_wait3A_210 = arith.constant 5248 : i32
    %dma_wait3A_211 = tpu.memref_slice %arg9[%dma_wait3A_210] : memref<20992xf32, #tpu.memory_space<vmem>> -> memref<5248xf32, #tpu.memory_space<vmem>>
    %dma_wait3A_212 = tpu.memref_slice %arg4[%add3A_163] : memref<671744xf32, #tpu.memory_space<hbm>> -> memref<5248xf32, #tpu.memory_space<hbm>>
    tpu.wait_dma2 semaphore(%arg25 : memref<!tpu.dma_semaphore, #tpu.memory_space<semaphore_mem>>) src(%dma_wait3A_212 : memref<5248xf32, #tpu.memory_space<hbm>>) dst(%dma_wait3A_211 : memref<5248xf32, #tpu.memory_space<vmem>>)
    %dma_wait3A_213 = arith.constant 5248 : i32
    %dma_wait3A_214 = tpu.memref_slice %arg10[%dma_wait3A_213] : memref<20992xi32, #tpu.memory_space<vmem>> -> memref<5248xi32, #tpu.memory_space<vmem>>
    %dma_wait3A_215 = tpu.memref_slice %arg5[%add3A_163] : memref<671744xi32, #tpu.memory_space<hbm>> -> memref<5248xi32, #tpu.memory_space<hbm>>
    %dma_wait3A_216 = arith.constant 5248 : i32
    %dma_wait3A_217 = tpu.memref_slice %arg10[%dma_wait3A_216] : memref<20992xi32, #tpu.memory_space<vmem>> -> memref<5248xi32, #tpu.memory_space<vmem>>
    %dma_wait3A_218 = tpu.memref_slice %arg5[%add3A_163] : memref<671744xi32, #tpu.memory_space<hbm>> -> memref<5248xi32, #tpu.memory_space<hbm>>
    tpu.wait_dma2 semaphore(%arg25 : memref<!tpu.dma_semaphore, #tpu.memory_space<semaphore_mem>>) src(%dma_wait3A_218 : memref<5248xi32, #tpu.memory_space<hbm>>) dst(%dma_wait3A_217 : memref<5248xi32, #tpu.memory_space<vmem>>)
    %dma_wait3A_219 = arith.constant 10496 : i32
    %dma_wait3A_220 = tpu.memref_slice %arg9[%dma_wait3A_219] : memref<20992xf32, #tpu.memory_space<vmem>> -> memref<5248xf32, #tpu.memory_space<vmem>>
    %dma_wait3A_221 = tpu.memref_slice %arg4[%add3A_177] : memref<671744xf32, #tpu.memory_space<hbm>> -> memref<5248xf32, #tpu.memory_space<hbm>>
    %dma_wait3A_222 = arith.constant 10496 : i32
    %dma_wait3A_223 = tpu.memref_slice %arg9[%dma_wait3A_222] : memref<20992xf32, #tpu.memory_space<vmem>> -> memref<5248xf32, #tpu.memory_space<vmem>>
    %dma_wait3A_224 = tpu.memref_slice %arg4[%add3A_177] : memref<671744xf32, #tpu.memory_space<hbm>> -> memref<5248xf32, #tpu.memory_space<hbm>>
    tpu.wait_dma2 semaphore(%arg25 : memref<!tpu.dma_semaphore, #tpu.memory_space<semaphore_mem>>) src(%dma_wait3A_224 : memref<5248xf32, #tpu.memory_space<hbm>>) dst(%dma_wait3A_223 : memref<5248xf32, #tpu.memory_space<vmem>>)
    %dma_wait3A_225 = arith.constant 10496 : i32
    %dma_wait3A_226 = tpu.memref_slice %arg10[%dma_wait3A_225] : memref<20992xi32, #tpu.memory_space<vmem>> -> memref<5248xi32, #tpu.memory_space<vmem>>
    %dma_wait3A_227 = tpu.memref_slice %arg5[%add3A_177] : memref<671744xi32, #tpu.memory_space<hbm>> -> memref<5248xi32, #tpu.memory_space<hbm>>
    %dma_wait3A_228 = arith.constant 10496 : i32
    %dma_wait3A_229 = tpu.memref_slice %arg10[%dma_wait3A_228] : memref<20992xi32, #tpu.memory_space<vmem>> -> memref<5248xi32, #tpu.memory_space<vmem>>
    %dma_wait3A_230 = tpu.memref_slice %arg5[%add3A_177] : memref<671744xi32, #tpu.memory_space<hbm>> -> memref<5248xi32, #tpu.memory_space<hbm>>
    tpu.wait_dma2 semaphore(%arg25 : memref<!tpu.dma_semaphore, #tpu.memory_space<semaphore_mem>>) src(%dma_wait3A_230 : memref<5248xi32, #tpu.memory_space<hbm>>) dst(%dma_wait3A_229 : memref<5248xi32, #tpu.memory_space<vmem>>)
    %dma_wait3A_231 = arith.constant 15744 : i32
    %dma_wait3A_232 = tpu.memref_slice %arg9[%dma_wait3A_231] : memref<20992xf32, #tpu.memory_space<vmem>> -> memref<5248xf32, #tpu.memory_space<vmem>>
    %dma_wait3A_233 = tpu.memref_slice %arg4[%add3A_191] : memref<671744xf32, #tpu.memory_space<hbm>> -> memref<5248xf32, #tpu.memory_space<hbm>>
    %dma_wait3A_234 = arith.constant 15744 : i32
    %dma_wait3A_235 = tpu.memref_slice %arg9[%dma_wait3A_234] : memref<20992xf32, #tpu.memory_space<vmem>> -> memref<5248xf32, #tpu.memory_space<vmem>>
    %dma_wait3A_236 = tpu.memref_slice %arg4[%add3A_191] : memref<671744xf32, #tpu.memory_space<hbm>> -> memref<5248xf32, #tpu.memory_space<hbm>>
    tpu.wait_dma2 semaphore(%arg25 : memref<!tpu.dma_semaphore, #tpu.memory_space<semaphore_mem>>) src(%dma_wait3A_236 : memref<5248xf32, #tpu.memory_space<hbm>>) dst(%dma_wait3A_235 : memref<5248xf32, #tpu.memory_space<vmem>>)
    %dma_wait3A_237 = arith.constant 15744 : i32
    %dma_wait3A_238 = tpu.memref_slice %arg10[%dma_wait3A_237] : memref<20992xi32, #tpu.memory_space<vmem>> -> memref<5248xi32, #tpu.memory_space<vmem>>
    %dma_wait3A_239 = tpu.memref_slice %arg5[%add3A_191] : memref<671744xi32, #tpu.memory_space<hbm>> -> memref<5248xi32, #tpu.memory_space<hbm>>
    %dma_wait3A_240 = arith.constant 15744 : i32
    %dma_wait3A_241 = tpu.memref_slice %arg10[%dma_wait3A_240] : memref<20992xi32, #tpu.memory_space<vmem>> -> memref<5248xi32, #tpu.memory_space<vmem>>
    %dma_wait3A_242 = tpu.memref_slice %arg5[%add3A_191] : memref<671744xi32, #tpu.memory_space<hbm>> -> memref<5248xi32, #tpu.memory_space<hbm>>
    tpu.wait_dma2 semaphore(%arg25 : memref<!tpu.dma_semaphore, #tpu.memory_space<semaphore_mem>>) src(%dma_wait3A_242 : memref<5248xi32, #tpu.memory_space<hbm>>) dst(%dma_wait3A_241 : memref<5248xi32, #tpu.memory_space<vmem>>)
    %parallel_loop3A_243 = arith.constant 5248 : i32
    %parallel_loop3A_244 = arith.constant 20992 : i32
    %parallel_loop3A_245 = arith.constant 16 : i32
    scf.for %parallel_loop3A_315 = %parallel_loop3A_243 to %parallel_loop3A_244 step %parallel_loop3A_245  : i32 {
      %parallel_loop3A_316 = arith.index_cast %parallel_loop3A_315 : i32 to index
      %parallel_loop3A_317 = tpu.vector_load %arg9[%parallel_loop3A_316] {strides = array<i32>} : memref<20992xf32, #tpu.memory_space<vmem>>, vector<16xf32>,
      %parallel_loop3A_318 = arith.index_cast %parallel_loop3A_315 : i32 to index
      %parallel_loop3A_319 = tpu.vector_load %arg10[%parallel_loop3A_318] {strides = array<i32>} : memref<20992xi32, #tpu.memory_space<vmem>>, vector<16xi32>,
      %parallel_loop3A_320 = arith.constant 65535 : i32
      %parallel_loop3A_321 = vector.broadcast %parallel_loop3A_320 : i32 to vector<16xi32>
      %parallel_loop3A_322 = arith.andi %parallel_loop3A_319, %parallel_loop3A_321 : vector<16xi32>
      %parallel_loop3A_323 = arith.constant 16 : i32
      %parallel_loop3A_324 = vector.broadcast %parallel_loop3A_323 : i32 to vector<16xi32>
      %parallel_loop3A_325 = arith.shrui %parallel_loop3A_319, %parallel_loop3A_324 : vector<16xi32>
      %parallel_loop3A_326 = tpu.vector_load_idx %arg11[%parallel_loop3A_325] : memref<4096xf32, #tpu.memory_space<vmem>>[vector<16xi32>], vector<16xf32>,
      %parallel_loop3A_327 = arith.mulf %parallel_loop3A_317, %parallel_loop3A_326 : vector<16xf32>
      tpu.vector_store_idx %arg13[%parallel_loop3A_322], %parallel_loop3A_327 {add = true} : memref<4096xf32, #tpu.memory_space<vmem>>[vector<16xi32>], vector<16xf32>,
      %parallel_loop3A_328 = tpu.vector_load_idx %arg12[%parallel_loop3A_322] : memref<4096xf32, #tpu.memory_space<vmem>>[vector<16xi32>], vector<16xf32>,
      %parallel_loop3A_329 = arith.mulf %parallel_loop3A_317, %parallel_loop3A_328 : vector<16xf32>
      tpu.vector_store_idx %arg14[%parallel_loop3A_325], %parallel_loop3A_329 {add = true} : memref<4096xf32, #tpu.memory_space<vmem>>[vector<16xi32>], vector<16xf32>,
    } {sc.loop_unroll_factor = 8 : i64, sc.parallel_access}
    "tpu.trace_stop"() : () -> ()
    "tpu.trace_start"() <{level = 10 : i32, message = "p2_pub"}> : () -> ()
    %dma_start3A_246 = arith.constant 0 : i32
    %dma_start3A_247 = tpu.memref_slice %arg20[%arg1, %dma_start3A_246] : memref<16x4096xf32, #tpu.memory_space<vmem_shared>> -> memref<1x4096xf32, #tpu.memory_space<vmem_shared>>
    %dma_start3A_248 = tpu.memref_squeeze %dma_start3A_247 : memref<1x4096xf32, #tpu.memory_space<vmem_shared>> -> memref<4096xf32, #tpu.memory_space<vmem_shared>>
    %dma_start3A_249 = arith.constant 0 : i32
    %dma_start3A_250 = tpu.memref_slice %arg20[%arg1, %dma_start3A_249] : memref<16x4096xf32, #tpu.memory_space<vmem_shared>> -> memref<1x4096xf32, #tpu.memory_space<vmem_shared>>
    %dma_start3A_251 = tpu.memref_squeeze %dma_start3A_250 : memref<1x4096xf32, #tpu.memory_space<vmem_shared>> -> memref<4096xf32, #tpu.memory_space<vmem_shared>>
    tpu.enqueue_dma source(%arg13 : memref<4096xf32, #tpu.memory_space<vmem>>) target(%dma_start3A_251 : memref<4096xf32, #tpu.memory_space<vmem_shared>>) target_semaphore(%arg26 : memref<!tpu.dma_semaphore, #tpu.memory_space<semaphore_mem>>)
    %dma_start3A_252 = arith.constant 0 : i32
    %dma_start3A_253 = tpu.memref_slice %arg21[%arg1, %dma_start3A_252] : memref<16x4096xf32, #tpu.memory_space<vmem_shared>> -> memref<1x4096xf32, #tpu.memory_space<vmem_shared>>
    %dma_start3A_254 = tpu.memref_squeeze %dma_start3A_253 : memref<1x4096xf32, #tpu.memory_space<vmem_shared>> -> memref<4096xf32, #tpu.memory_space<vmem_shared>>
    %dma_start3A_255 = arith.constant 0 : i32
    %dma_start3A_256 = tpu.memref_slice %arg21[%arg1, %dma_start3A_255] : memref<16x4096xf32, #tpu.memory_space<vmem_shared>> -> memref<1x4096xf32, #tpu.memory_space<vmem_shared>>
    %dma_start3A_257 = tpu.memref_squeeze %dma_start3A_256 : memref<1x4096xf32, #tpu.memory_space<vmem_shared>> -> memref<4096xf32, #tpu.memory_space<vmem_shared>>
    tpu.enqueue_dma source(%arg14 : memref<4096xf32, #tpu.memory_space<vmem>>) target(%dma_start3A_257 : memref<4096xf32, #tpu.memory_space<vmem_shared>>) target_semaphore(%arg26 : memref<!tpu.dma_semaphore, #tpu.memory_space<semaphore_mem>>)
    %dma_wait3A_258 = arith.constant 0 : i32
    %dma_wait3A_259 = tpu.memref_slice %arg20[%arg1, %dma_wait3A_258] : memref<16x4096xf32, #tpu.memory_space<vmem_shared>> -> memref<1x4096xf32, #tpu.memory_space<vmem_shared>>
    %dma_wait3A_260 = tpu.memref_squeeze %dma_wait3A_259 : memref<1x4096xf32, #tpu.memory_space<vmem_shared>> -> memref<4096xf32, #tpu.memory_space<vmem_shared>>
    %dma_wait3A_261 = arith.constant 0 : i32
    %dma_wait3A_262 = tpu.memref_slice %arg20[%arg1, %dma_wait3A_261] : memref<16x4096xf32, #tpu.memory_space<vmem_shared>> -> memref<1x4096xf32, #tpu.memory_space<vmem_shared>>
    %dma_wait3A_263 = tpu.memref_squeeze %dma_wait3A_262 : memref<1x4096xf32, #tpu.memory_space<vmem_shared>> -> memref<4096xf32, #tpu.memory_space<vmem_shared>>
    tpu.wait_dma2 semaphore(%arg26 : memref<!tpu.dma_semaphore, #tpu.memory_space<semaphore_mem>>) src(%arg13 : memref<4096xf32, #tpu.memory_space<vmem>>) dst(%dma_wait3A_263 : memref<4096xf32, #tpu.memory_space<vmem_shared>>)
    %dma_wait3A_264 = arith.constant 0 : i32
    %dma_wait3A_265 = tpu.memref_slice %arg21[%arg1, %dma_wait3A_264] : memref<16x4096xf32, #tpu.memory_space<vmem_shared>> -> memref<1x4096xf32, #tpu.memory_space<vmem_shared>>
    %dma_wait3A_266 = tpu.memref_squeeze %dma_wait3A_265 : memref<1x4096xf32, #tpu.memory_space<vmem_shared>> -> memref<4096xf32, #tpu.memory_space<vmem_shared>>
    %dma_wait3A_267 = arith.constant 0 : i32
    %dma_wait3A_268 = tpu.memref_slice %arg21[%arg1, %dma_wait3A_267] : memref<16x4096xf32, #tpu.memory_space<vmem_shared>> -> memref<1x4096xf32, #tpu.memory_space<vmem_shared>>
    %dma_wait3A_269 = tpu.memref_squeeze %dma_wait3A_268 : memref<1x4096xf32, #tpu.memory_space<vmem_shared>> -> memref<4096xf32, #tpu.memory_space<vmem_shared>>
    tpu.wait_dma2 semaphore(%arg26 : memref<!tpu.dma_semaphore, #tpu.memory_space<semaphore_mem>>) src(%arg14 : memref<4096xf32, #tpu.memory_space<vmem>>) dst(%dma_wait3A_269 : memref<4096xf32, #tpu.memory_space<vmem_shared>>)
    %barrier3A_270 = arith.constant 0 : index
    tpu.barrier barrier_id(%barrier3A_270)
    "tpu.trace_stop"() : () -> ()
    %mul3A_271 = arith.constant 512 : i32
    %mul3A_272 = arith.muli %select_n3A_30, %mul3A_271 : i32
    %dma_start3A_273 = tpu.memref_slice %arg20[%mul3A_56, %mul3A_272] : memref<16x4096xf32, #tpu.memory_space<vmem_shared>> -> memref<8x512xf32, #tpu.memory_space<vmem_shared>>
    %dma_start3A_274 = tpu.memref_slice %arg20[%mul3A_56, %mul3A_272] : memref<16x4096xf32, #tpu.memory_space<vmem_shared>> -> memref<8x512xf32, #tpu.memory_space<vmem_shared>>
    tpu.enqueue_dma source(%dma_start3A_274 : memref<8x512xf32, #tpu.memory_space<vmem_shared>>) target(%arg15 : memref<8x512xf32, #tpu.memory_space<vmem>>) target_semaphore(%arg26 : memref<!tpu.dma_semaphore, #tpu.memory_space<semaphore_mem>>)
    %dma_start3A_275 = tpu.memref_slice %arg21[%mul3A_56, %mul3A_272] : memref<16x4096xf32, #tpu.memory_space<vmem_shared>> -> memref<8x512xf32, #tpu.memory_space<vmem_shared>>
    %dma_start3A_276 = tpu.memref_slice %arg21[%mul3A_56, %mul3A_272] : memref<16x4096xf32, #tpu.memory_space<vmem_shared>> -> memref<8x512xf32, #tpu.memory_space<vmem_shared>>
    tpu.enqueue_dma source(%dma_start3A_276 : memref<8x512xf32, #tpu.memory_space<vmem_shared>>) target(%arg16 : memref<8x512xf32, #tpu.memory_space<vmem>>) target_semaphore(%arg26 : memref<!tpu.dma_semaphore, #tpu.memory_space<semaphore_mem>>)
    "tpu.trace_start"() <{level = 10 : i32, message = "p2_pull"}> : () -> ()
    %dma_wait3A_277 = tpu.memref_slice %arg20[%mul3A_56, %mul3A_272] : memref<16x4096xf32, #tpu.memory_space<vmem_shared>> -> memref<8x512xf32, #tpu.memory_space<vmem_shared>>
    %dma_wait3A_278 = tpu.memref_slice %arg20[%mul3A_56, %mul3A_272] : memref<16x4096xf32, #tpu.memory_space<vmem_shared>> -> memref<8x512xf32, #tpu.memory_space<vmem_shared>>
    tpu.wait_dma2 semaphore(%arg26 : memref<!tpu.dma_semaphore, #tpu.memory_space<semaphore_mem>>) src(%dma_wait3A_278 : memref<8x512xf32, #tpu.memory_space<vmem_shared>>) dst(%arg15 : memref<8x512xf32, #tpu.memory_space<vmem>>)
    %dma_wait3A_279 = tpu.memref_slice %arg21[%mul3A_56, %mul3A_272] : memref<16x4096xf32, #tpu.memory_space<vmem_shared>> -> memref<8x512xf32, #tpu.memory_space<vmem_shared>>
    %dma_wait3A_280 = tpu.memref_slice %arg21[%mul3A_56, %mul3A_272] : memref<16x4096xf32, #tpu.memory_space<vmem_shared>> -> memref<8x512xf32, #tpu.memory_space<vmem_shared>>
    tpu.wait_dma2 semaphore(%arg26 : memref<!tpu.dma_semaphore, #tpu.memory_space<semaphore_mem>>) src(%dma_wait3A_280 : memref<8x512xf32, #tpu.memory_space<vmem_shared>>) dst(%arg16 : memref<8x512xf32, #tpu.memory_space<vmem>>)
    "tpu.trace_stop"() : () -> ()
    %dma_wait3A_281 = tpu.memref_slice %arg6[%add3A_96] : memref<16384xf32, #tpu.memory_space<hbm>> -> memref<512xf32, #tpu.memory_space<hbm>>
    %dma_wait3A_282 = tpu.memref_slice %arg6[%add3A_96] : memref<16384xf32, #tpu.memory_space<hbm>> -> memref<512xf32, #tpu.memory_space<hbm>>
    tpu.wait_dma2 semaphore(%arg26 : memref<!tpu.dma_semaphore, #tpu.memory_space<semaphore_mem>>) src(%dma_wait3A_282 : memref<512xf32, #tpu.memory_space<hbm>>) dst(%arg17 : memref<512xf32, #tpu.memory_space<vmem>>)
    %dma_wait3A_283 = tpu.memref_slice %arg7[%add3A_102] : memref<16384xf32, #tpu.memory_space<hbm>> -> memref<512xf32, #tpu.memory_space<hbm>>
    %dma_wait3A_284 = tpu.memref_slice %arg7[%add3A_102] : memref<16384xf32, #tpu.memory_space<hbm>> -> memref<512xf32, #tpu.memory_space<hbm>>
    tpu.wait_dma2 semaphore(%arg26 : memref<!tpu.dma_semaphore, #tpu.memory_space<semaphore_mem>>) src(%dma_wait3A_284 : memref<512xf32, #tpu.memory_space<hbm>>) dst(%arg18 : memref<512xf32, #tpu.memory_space<vmem>>)
    "tpu.trace_start"() <{level = 10 : i32, message = "p3_loss"}> : () -> ()
    %scan3A = arith.constant 0 : i32
    %scan3A_285 = arith.constant 32 : i32
    %scan3A_286 = arith.addi %scan3A, %scan3A_285 : i32
    %scan3A_287 = arith.constant 1 : i32
    %scan3A_288:4 = scf.for %scan3A_315 = %scan3A to %scan3A_286 step %scan3A_287 iter_args(%scan3A_316 = %broadcast_in_dim3A_119, %scan3A_317 = %broadcast_in_dim3A_119, %scan3A_318 = %broadcast_in_dim3A_119, %scan3A_319 = %broadcast_in_dim3A_119) -> (vector<16xf32>, vector<16xf32>, vector<16xf32>, vector<16xf32>)  : i32 {
      %mul3A_320 = arith.constant 16 : i32
      %mul3A_321 = arith.muli %scan3A_315, %mul3A_320 : i32
      %get3A = arith.constant 0 : i32
      %get3A_322 = arith.index_cast %get3A : i32 to index
      %get3A_323 = arith.index_cast %mul3A_321 : i32 to index
      %get3A_324 = tpu.vector_load %arg15[%get3A_322, %get3A_323] {strides = array<i32>} : memref<8x512xf32, #tpu.memory_space<vmem>>, vector<16xf32>,
      %get3A_325 = arith.constant 0 : i32
      %get3A_326 = arith.index_cast %get3A_325 : i32 to index
      %get3A_327 = arith.index_cast %mul3A_321 : i32 to index
      %get3A_328 = tpu.vector_load %arg16[%get3A_326, %get3A_327] {strides = array<i32>} : memref<8x512xf32, #tpu.memory_space<vmem>>, vector<16xf32>,
      %get3A_329 = arith.constant 1 : i32
      %get3A_330 = arith.index_cast %get3A_329 : i32 to index
      %get3A_331 = arith.index_cast %mul3A_321 : i32 to index
      %get3A_332 = tpu.vector_load %arg15[%get3A_330, %get3A_331] {strides = array<i32>} : memref<8x512xf32, #tpu.memory_space<vmem>>, vector<16xf32>,
      %add3A_333 = arith.addf %get3A_324, %get3A_332 : vector<16xf32>
      %get3A_334 = arith.constant 1 : i32
      %get3A_335 = arith.index_cast %get3A_334 : i32 to index
      %get3A_336 = arith.index_cast %mul3A_321 : i32 to index
      %get3A_337 = tpu.vector_load %arg16[%get3A_335, %get3A_336] {strides = array<i32>} : memref<8x512xf32, #tpu.memory_space<vmem>>, vector<16xf32>,
      %add3A_338 = arith.addf %get3A_328, %get3A_337 : vector<16xf32>
      %get3A_339 = arith.constant 2 : i32
      %get3A_340 = arith.index_cast %get3A_339 : i32 to index
      %get3A_341 = arith.index_cast %mul3A_321 : i32 to index
      %get3A_342 = tpu.vector_load %arg15[%get3A_340, %get3A_341] {strides = array<i32>} : memref<8x512xf32, #tpu.memory_space<vmem>>, vector<16xf32>,
      %add3A_343 = arith.addf %add3A_333, %get3A_342 : vector<16xf32>
      %get3A_344 = arith.constant 2 : i32
      %get3A_345 = arith.index_cast %get3A_344 : i32 to index
      %get3A_346 = arith.index_cast %mul3A_321 : i32 to index
      %get3A_347 = tpu.vector_load %arg16[%get3A_345, %get3A_346] {strides = array<i32>} : memref<8x512xf32, #tpu.memory_space<vmem>>, vector<16xf32>,
      %add3A_348 = arith.addf %add3A_338, %get3A_347 : vector<16xf32>
      %get3A_349 = arith.constant 3 : i32
      %get3A_350 = arith.index_cast %get3A_349 : i32 to index
      %get3A_351 = arith.index_cast %mul3A_321 : i32 to index
      %get3A_352 = tpu.vector_load %arg15[%get3A_350, %get3A_351] {strides = array<i32>} : memref<8x512xf32, #tpu.memory_space<vmem>>, vector<16xf32>,
      %add3A_353 = arith.addf %add3A_343, %get3A_352 : vector<16xf32>
      %get3A_354 = arith.constant 3 : i32
      %get3A_355 = arith.index_cast %get3A_354 : i32 to index
      %get3A_356 = arith.index_cast %mul3A_321 : i32 to index
      %get3A_357 = tpu.vector_load %arg16[%get3A_355, %get3A_356] {strides = array<i32>} : memref<8x512xf32, #tpu.memory_space<vmem>>, vector<16xf32>,
      %add3A_358 = arith.addf %add3A_348, %get3A_357 : vector<16xf32>
      %get3A_359 = arith.constant 4 : i32
      %get3A_360 = arith.index_cast %get3A_359 : i32 to index
      %get3A_361 = arith.index_cast %mul3A_321 : i32 to index
      %get3A_362 = tpu.vector_load %arg15[%get3A_360, %get3A_361] {strides = array<i32>} : memref<8x512xf32, #tpu.memory_space<vmem>>, vector<16xf32>,
      %add3A_363 = arith.addf %add3A_353, %get3A_362 : vector<16xf32>
      %get3A_364 = arith.constant 4 : i32
      %get3A_365 = arith.index_cast %get3A_364 : i32 to index
      %get3A_366 = arith.index_cast %mul3A_321 : i32 to index
      %get3A_367 = tpu.vector_load %arg16[%get3A_365, %get3A_366] {strides = array<i32>} : memref<8x512xf32, #tpu.memory_space<vmem>>, vector<16xf32>,
      %add3A_368 = arith.addf %add3A_358, %get3A_367 : vector<16xf32>
      %get3A_369 = arith.constant 5 : i32
      %get3A_370 = arith.index_cast %get3A_369 : i32 to index
      %get3A_371 = arith.index_cast %mul3A_321 : i32 to index
      %get3A_372 = tpu.vector_load %arg15[%get3A_370, %get3A_371] {strides = array<i32>} : memref<8x512xf32, #tpu.memory_space<vmem>>, vector<16xf32>,
      %add3A_373 = arith.addf %add3A_363, %get3A_372 : vector<16xf32>
      %get3A_374 = arith.constant 5 : i32
      %get3A_375 = arith.index_cast %get3A_374 : i32 to index
      %get3A_376 = arith.index_cast %mul3A_321 : i32 to index
      %get3A_377 = tpu.vector_load %arg16[%get3A_375, %get3A_376] {strides = array<i32>} : memref<8x512xf32, #tpu.memory_space<vmem>>, vector<16xf32>,
      %add3A_378 = arith.addf %add3A_368, %get3A_377 : vector<16xf32>
      %get3A_379 = arith.constant 6 : i32
      %get3A_380 = arith.index_cast %get3A_379 : i32 to index
      %get3A_381 = arith.index_cast %mul3A_321 : i32 to index
      %get3A_382 = tpu.vector_load %arg15[%get3A_380, %get3A_381] {strides = array<i32>} : memref<8x512xf32, #tpu.memory_space<vmem>>, vector<16xf32>,
      %add3A_383 = arith.addf %add3A_373, %get3A_382 : vector<16xf32>
      %get3A_384 = arith.constant 6 : i32
      %get3A_385 = arith.index_cast %get3A_384 : i32 to index
      %get3A_386 = arith.index_cast %mul3A_321 : i32 to index
      %get3A_387 = tpu.vector_load %arg16[%get3A_385, %get3A_386] {strides = array<i32>} : memref<8x512xf32, #tpu.memory_space<vmem>>, vector<16xf32>,
      %add3A_388 = arith.addf %add3A_378, %get3A_387 : vector<16xf32>
      %get3A_389 = arith.constant 7 : i32
      %get3A_390 = arith.index_cast %get3A_389 : i32 to index
      %get3A_391 = arith.index_cast %mul3A_321 : i32 to index
      %get3A_392 = tpu.vector_load %arg15[%get3A_390, %get3A_391] {strides = array<i32>} : memref<8x512xf32, #tpu.memory_space<vmem>>, vector<16xf32>,
      %add3A_393 = arith.addf %add3A_383, %get3A_392 : vector<16xf32>
      %get3A_394 = arith.constant 7 : i32
      %get3A_395 = arith.index_cast %get3A_394 : i32 to index
      %get3A_396 = arith.index_cast %mul3A_321 : i32 to index
      %get3A_397 = tpu.vector_load %arg16[%get3A_395, %get3A_396] {strides = array<i32>} : memref<8x512xf32, #tpu.memory_space<vmem>>, vector<16xf32>,
      %add3A_398 = arith.addf %add3A_388, %get3A_397 : vector<16xf32>
      %get3A_399 = arith.index_cast %mul3A_321 : i32 to index
      %get3A_400 = tpu.vector_load %arg17[%get3A_399] {strides = array<i32>} : memref<512xf32, #tpu.memory_space<vmem>>, vector<16xf32>,
      %get3A_401 = arith.index_cast %mul3A_321 : i32 to index
      %get3A_402 = tpu.vector_load %arg18[%get3A_401] {strides = array<i32>} : memref<512xf32, #tpu.memory_space<vmem>>, vector<16xf32>,
      %mul3A_403 = arith.constant 16 : i32
      %mul3A_404 = arith.muli %scan3A_315, %mul3A_403 : i32
      %add3A_405 = arith.addi %mul3A_272, %mul3A_404 : i32
      %get3A_406 = arith.index_cast %add3A_405 : i32 to index
      %get3A_407 = tpu.vector_load %arg12[%get3A_406] {strides = array<i32>} : memref<4096xf32, #tpu.memory_space<vmem>>, vector<16xf32>,
      %sub3A_408 = arith.subf %add3A_393, %get3A_400 : vector<16xf32>
      %max3A = arith.constant 0.000000e+00 : f32
      %max3A_409 = vector.broadcast %max3A : f32 to vector<16xf32>
      %max3A_410 = arith.maximumf %sub3A_408, %max3A_409 : vector<16xf32>
      %neg3A = arith.constant 0.000000e+00 : f32
      %neg3A_411 = vector.broadcast %neg3A : f32 to vector<16xf32>
      %neg3A_412 = arith.subf %neg3A_411, %get3A_407 : vector<16xf32>
      %max3A_413 = arith.constant 0.000000e+00 : f32
      %max3A_414 = vector.broadcast %max3A_413 : f32 to vector<16xf32>
      %max3A_415 = arith.maximumf %neg3A_412, %max3A_414 : vector<16xf32>
      %add3A_416 = arith.addf %add3A_398, %get3A_402 : vector<16xf32>
      %mul3A_417 = arith.mulf %get3A_407, %sub3A_408 : vector<16xf32>
      %mul3A_418 = arith.mulf %max3A_410, %max3A_410 : vector<16xf32>
      %add3A_419 = arith.addf %scan3A_316, %mul3A_418 : vector<16xf32>
      %mul3A_420 = arith.mulf %max3A_415, %max3A_415 : vector<16xf32>
      %add3A_421 = arith.addf %scan3A_317, %mul3A_420 : vector<16xf32>
      %mul3A_422 = arith.mulf %add3A_416, %add3A_416 : vector<16xf32>
      %add3A_423 = arith.addf %scan3A_318, %mul3A_422 : vector<16xf32>
      %mul3A_424 = arith.mulf %mul3A_417, %mul3A_417 : vector<16xf32>
      %add3A_425 = arith.addf %scan3A_319, %mul3A_424 : vector<16xf32>
      scf.yield %add3A_419, %add3A_421, %add3A_423, %add3A_425 : vector<16xf32>, vector<16xf32>, vector<16xf32>, vector<16xf32>
    }
    %scan3A_289 = arith.constant 32 : i32
    "tpu.trace_stop"() : () -> ()
    %mul3A_290 = arith.constant 1.000000e-01 : f32
    %mul3A_291 = vector.broadcast %mul3A_290 : f32 to vector<16xf32>
    %mul3A_292 = arith.mulf %mul3A_291, %scan3A_288#0 : vector<16xf32>
    %mul3A_293 = arith.constant 1.000000e-01 : f32
    %mul3A_294 = vector.broadcast %mul3A_293 : f32 to vector<16xf32>
    %mul3A_295 = arith.mulf %mul3A_294, %scan3A_288#1 : vector<16xf32>
    %add3A_296 = arith.addf %mul3A_292, %mul3A_295 : vector<16xf32>
    %mul3A_297 = arith.constant 6.000000e-01 : f32
    %mul3A_298 = vector.broadcast %mul3A_297 : f32 to vector<16xf32>
    %mul3A_299 = arith.mulf %mul3A_298, %scan3A_288#2 : vector<16xf32>
    %add3A_300 = arith.addf %add3A_296, %mul3A_299 : vector<16xf32>
    %mul3A_301 = arith.constant 2.000000e-01 : f32
    %mul3A_302 = vector.broadcast %mul3A_301 : f32 to vector<16xf32>
    %mul3A_303 = arith.mulf %mul3A_302, %scan3A_288#3 : vector<16xf32>
    %add3A_304 = arith.addf %add3A_300, %mul3A_303 : vector<16xf32>
    %mul3A_305 = arith.constant 6.10351563E-5 : f32
    %mul3A_306 = vector.broadcast %mul3A_305 : f32 to vector<16xf32>
    %mul3A_307 = arith.mulf %add3A_304, %mul3A_306 : vector<16xf32>
    %swap3A = arith.constant 0 : index
    %swap3A_308 = tpu.vector_load %arg19[%swap3A] {strides = array<i32>} : memref<16xf32, #tpu.memory_space<vmem>>, vector<16xf32>,
    tpu.vector_store %arg19[%swap3A], %mul3A_307 {strides = array<i32>} : memref<16xf32, #tpu.memory_space<vmem>>, vector<16xf32>,
    %mul3A_309 = arith.constant 16 : i32
    %mul3A_310 = arith.muli %add3A_59, %mul3A_309 : i32
    %dma_start3A_311 = tpu.memref_slice %arg8[%mul3A_310] : memref<512xf32, #tpu.memory_space<hbm>> -> memref<16xf32, #tpu.memory_space<hbm>>
    %dma_start3A_312 = tpu.memref_slice %arg8[%mul3A_310] : memref<512xf32, #tpu.memory_space<hbm>> -> memref<16xf32, #tpu.memory_space<hbm>>
    tpu.enqueue_dma source(%arg19 : memref<16xf32, #tpu.memory_space<vmem>>) target(%dma_start3A_312 : memref<16xf32, #tpu.memory_space<hbm>>) target_semaphore(%arg26 : memref<!tpu.dma_semaphore, #tpu.memory_space<semaphore_mem>>)
    %dma_wait3A_313 = tpu.memref_slice %arg8[%mul3A_310] : memref<512xf32, #tpu.memory_space<hbm>> -> memref<16xf32, #tpu.memory_space<hbm>>
    %dma_wait3A_314 = tpu.memref_slice %arg8[%mul3A_310] : memref<512xf32, #tpu.memory_space<hbm>> -> memref<16xf32, #tpu.memory_space<hbm>>
    tpu.wait_dma2 semaphore(%arg26 : memref<!tpu.dma_semaphore, #tpu.memory_space<semaphore_mem>>) src(%arg19 : memref<16xf32, #tpu.memory_space<vmem>>) dst(%dma_wait3A_314 : memref<16xf32, #tpu.memory_space<hbm>>)
    return
  }
}

</mosaic_0001>

<sc_bundles>
// kernel: _run.3.cloned.1.call-start
scs
__scs_entry_jumppad:
0x0: {  	(pc) =	sbr.rel $0x88, $3  }
0x1: {  	(tag) =	ssettag $0x0;
	lr =	simm.s32 $0x1  }
0x2: {  	[smem:$0x3F9B] =	sst lr;
	_ =	strace $0xD0000000  }
0x3: {  	_ = 	snop  }
0x4: {  	_ = 	snop  }
0x5: {  	_ = 	snop  }
0x6: {  	_ = 	snop  }
0x7: {  	_ = 	snop  }
__scs_overlays_trampoline_lowered:
0x8: {  	[smem:$0x3FAA] =	sst s0  }
0x9: {  	[smem:$0x3FAB] =	sst s1  }
0xa: {  	[smem:$0x3FAC] =	sst s2  }
0xb: {  	[smem:$0x3FAD] =	sst s3  }
0xc: {  	[smem:$0x3FAE] =	sst s4  }
0xd: {  	[smem:$0x3FAF] =	sst s5  }
0xe: {  	[smem:$0x3FB0] =	sst s6  }
0xf: {  	[smem:$0x3FB1] =	sst s7  }
0x10: {  	[smem:$0x3FB2] =	sst s8  }
0x11: {  	[smem:$0x3FB3] =	sst s9;
	s0 =	simm.s32 @!p0 $0x0  }
0x12: {  	s1 =	sld [smem:$0x3F99];
	s0 =	simm.s32 @p0 $0x1  }
0x13: {  	[smem:$0x3FB4] =	sst s0;
	s0 =	simm.s32 @!p1 $0x0  }
0x14: {  	s2 =	sld [smem:$0x3F98];
	s0 =	simm.s32 @p1 $0x1  }
0x15: {  	[smem:$0x3FB5] =	sst s0;
	s0 =	simm.s32 @!p2 $0x0  }
0x16: {  	s3 =	sld [smem:$0x3FDB];
	s0 =	simm.s32 @p2 $0x1  }
0x17: {  	s4 =	simm.s32 $0x1BF5;
	[smem:$0x3FB7] =	sst s0  }
0x18: {  	s0 =	sld [smem:$0x3F9A];
	_ =	swait.ge [sflag:s4], $0x0  }
0x19: {  	s7 =	sld [smem:$0x3F9B]  }
0x1a: {  	s8 =	sadd.s32 $0xFFFFE003, lr  }
0x1b: {  	s9 =	sadd.s32 $0xFFFFFEF7, lr;
	s5 =	simm.s32 $0xFFFFFFFF;
	p2 =	slt.u32 s8, $0xFFFFF086  }
0x1c: {  	p1 =	slt.u32 s9, $0xF7A;
	s5 =	simm.s32 @!p2 $0x0  }
0x1d: {  	s5 =	simm.s32 @p1 $0x1;
	p0 =	seq.s32 s7, s2  }
0x1e: {  	s7 =	smul.u32 @!p0 $0xF7A, s2;
	p2 =	seq.s32 @!p0 s5, $0x0  }
0x1f: {  	s9 =	smul.u32 $0xF7A, s1;
	s8 =	simm.s32 @!p0 $0x1BF5;
	p2 =	por !p2, p0  }
0x20: {  	[sflag:s8] =	ssyncset.s32 @!p0 $0xFFFFF086;
	s6 =	sadd.s32 @!p0 s3, s7;
	s7 =	simm.s32 @!p0 $0x108  }
0x21: {  	s3 =	sadd.s32 s3, s9;
	s6 =	sadd.s32 @!p0 $0x88, s6;
	s7 =	simm.s32 @p2 $0x1082  }
0x22: {  	[simem:s7], [sflag:s8] =	dma.local @!p0 [hbm:s6], $0xF7A  }
0x23: {  	s9 =	sor.u32 $0xD0000000, s2;
	s6 =	simm.s32 $0x108;
	_ =	swait.ge @!p0 [sflag:s8], $0x0  }
0x24: {  	s3 =	sadd.s32 $0x88, s3;
	s6 =	simm.s32 @!p1 $0x1082;
	[sflag:s4] =	ssyncset.s32 $0xFFFFF086  }
0x25: {  	[simem:s6], [sflag:s4] =	dma.local [hbm:s3], $0xF7A  }
0x26: {  	[smem:$0x3F9B] =	sst s1;
	(tag) =	ssettag s2;
	_ =	strace s9  }
0x27: {  	s1 =	sld [smem:$0x3FAB]  }
0x28: {  	s2 =	sld [smem:$0x3FAC]  }
0x29: {  	s4 =	sld [smem:$0x3FAE]  }
0x2a: {  	p0 =	seq.s32 s5, $0x0;
	s5 =	sld [smem:$0x3FAF]  }
0x2b: {  	s6 =	sld [smem:$0x3FB0]  }
0x2c: {  	s7 =	sld [smem:$0x3FB1]  }
0x2d: {  	s3 =	simm.s32 $0x108;
	s8 =	sld [smem:$0x3FB2]  }
0x2e: {  	s3 =	simm.s32 @!p0 $0x1082;
	s9 =	sld [smem:$0x3FB3]  }
0x2f: {  	lr =	sadd.s32 s0, s3;
	s0 =	sld [smem:$0x3FAA]  }
0x30: {  	s3 =	sld [smem:$0x3FAD]  }
0x31: {  	[smem:$0x3FB6] =	sst s10  }
0x32: {  	s10 =	sld [smem:$0x3FB4];
	_ =	sdelay $0x3  }
0x33: {  	p0 =	seq.s32 s10, $0x1;
	s10 =	sld [smem:$0x3FB6];
	_ =	sdelay $0x3  }
0x34: {  	[smem:$0x3FB6] =	sst s10  }
0x35: {  	s10 =	sld [smem:$0x3FB5];
	_ =	sdelay $0x3  }
0x36: {  	p1 =	seq.s32 s10, $0x1;
	s10 =	sld [smem:$0x3FB6];
	_ =	sdelay $0x3  }
0x37: {  	[smem:$0x3FB6] =	sst s10  }
0x38: {  	s10 =	sld [smem:$0x3FB7]  }
0x39: {  	_ = 	snop;
	(pc) =	sbr.ind lr, $3  }
0x3a: {  	_ = 	snop  }
0x3b: {  	_ = 	snop  }
0x3c: {  	p2 =	seq.s32 s10, $0x1;
	s10 =	sld [smem:$0x3FB6]  }
0x3d: {  	_ =	shalt  }
0x3e: {  	_ =	shalt  }
0x3f: {  	_ =	shalt  }
0x40: {  	_ =	shalt  }
0x41: {  	_ =	shalt  }
0x42: {  	_ =	shalt  }
0x43: {  	_ =	shalt  }
0x44: {  	_ =	shalt  }
0x45: {  	_ =	shalt  }
0x46: {  	_ =	shalt  }
0x47: {  	_ =	shalt  }
0x48: {  	_ =	shalt  }
0x49: {  	_ =	shalt  }
0x4a: {  	_ =	shalt  }
0x4b: {  	_ =	shalt  }
0x4c: {  	_ =	shalt  }
0x4d: {  	_ =	shalt  }
0x4e: {  	_ =	shalt  }
0x4f: {  	_ =	shalt  }
0x50: {  	_ =	shalt  }
0x51: {  	_ =	shalt  }
0x52: {  	_ =	shalt  }
0x53: {  	_ =	shalt  }
0x54: {  	_ =	shalt  }
0x55: {  	_ =	shalt  }
0x56: {  	_ =	shalt  }
0x57: {  	_ =	shalt  }
0x58: {  	_ =	shalt  }
0x59: {  	_ =	shalt  }
0x5a: {  	_ =	shalt  }
0x5b: {  	_ =	shalt  }
0x5c: {  	_ =	shalt  }
0x5d: {  	_ =	shalt  }
0x5e: {  	_ =	shalt  }
0x5f: {  	_ =	shalt  }
0x60: {  	_ =	shalt  }
0x61: {  	_ =	shalt  }
0x62: {  	_ =	shalt  }
0x63: {  	_ =	shalt  }
0x64: {  	_ =	shalt  }
0x65: {  	_ =	shalt  }
0x66: {  	_ =	shalt  }
0x67: {  	_ =	shalt  }
0x68: {  	_ =	shalt  }
0x69: {  	_ =	shalt  }
0x6a: {  	_ =	shalt  }
0x6b: {  	_ =	shalt  }
0x6c: {  	_ =	shalt  }
0x6d: {  	_ =	shalt  }
0x6e: {  	_ =	shalt  }
0x6f: {  	_ =	shalt  }
0x70: {  	_ =	shalt  }
0x71: {  	_ =	shalt  }
0x72: {  	_ =	shalt  }
0x73: {  	_ =	shalt  }
0x74: {  	_ =	shalt  }
0x75: {  	_ =	shalt  }
0x76: {  	_ =	shalt  }
0x77: {  	_ =	shalt  }
0x78: {  	_ =	shalt  }
0x79: {  	_ =	shalt  }
0x7a: {  	_ =	shalt  }
0x7b: {  	_ =	shalt  }
0x7c: {  	_ =	shalt  }
0x7d: {  	_ =	shalt  }
0x7e: {  	_ =	shalt  }
0x7f: {  	_ =	shalt  }
0x80: {  	_ =	shalt  }
0x81: {  	_ =	shalt  }
0x82: {  	_ =	shalt  }
0x83: {  	_ =	shalt  }
0x84: {  	_ =	shalt  }
0x85: {  	_ =	shalt  }
0x86: {  	_ =	shalt  }
0x87: {  	_ =	shalt  }
.Lfunc_end0:
.L_simem_size_0:
called_computation_lowered:
.L_overlay_start_0:
0x88: {  	s2 =	sld [smem:$0x3FD9]  }
0x89: {  	s3 =	sld [smem:$0x3FFE];
	_ =	sdelay $0x1  }
0x8a: {  	s1 =	srdreg.scid  }
0x8b: {  	s0 =	sand.u32 $0x1, s1  }
0x8c: {  	s17 =	sshll.u32 s0, $0xA;
	s2 =	sadd.s32 s3, s2  }
0x8d: {  	s2 =	sadd.s32 s2, s17  }
0x8e: {  	[smem:$0x3FC2] =	sst s2  }
0x8f: {  	_ = 	snop  }
0x90: {  	s2 =	sld [smem:$0x3FC9]  }
0x91: {  	s18 =	sld [smem:$0x3FC8]  }
0x92: {  	s4 =	sld [smem:$0x3FC7]  }
0x93: {  	s5 =	sld [smem:$0x3FC6]  }
0x94: {  	s6 =	sld [smem:$0x3FC5]  }
0x95: {  	s7 =	sld [smem:$0x3FC4];
	(tm) =	ssettm $0x1  }
0x96: {  	s8 =	sld [smem:$0x3FFB];
	_ =	sdelay $0x3  }
0x97: {  	_ =	strace s8  }
0x98: {  	s8 =	sld [smem:$0x3FFC];
	_ =	sdelay $0x3  }
0x99: {  	_ =	strace s8  }
0x9a: {  	s8 =	sld [smem:$0x3FFD];
	_ =	sdelay $0x3  }
0x9b: {  	_ =	strace s8  }
0x9c: {  	_ =	strace $0x8FFFFFFF  }
0x9d: {  	s19 =	sld [smem:$0x3FDB];
	_ =	sdelay $0x1  }
0x9e: {  	s9 =	simm.s32 $_scs_section_size  }
0x9f: {  	s10 =	simm.s32 $_size__tile_overlayer_lowered;
	s11 =	simm.s32 $_tile_overlayer_lowered  }
0xa0: {  	s22 =	simm.s32 $0x1BFF;
	s21 =	sshll.u32 s11, $0x1;
	s8 =	sadd.s32 s9, s19  }
0xa1: {  	s12 =	simm.s32 $0x0;
	s20 =	sshll.u32 s10, $0x1;
	s10 =	sadd.s32 s21, s8  }
0xa2: {  	[timem:s12], [sflag:s22] =	dma.local [hbm:s10], s20  }
0xa3: {  	_ =	swait.ge [sflag:s22], s20  }
0xa4: {  	s9 =	ssub.s32 $0x0, s20;
	[sflag:s22] =	ssyncset.done $0x0  }
0xa5: {  	[sflag:s22] =	ssyncadd.s32 s9;
	_ =	sdelay $0x1  }
0xa6: {  	s23 =	simm.s32 $0x1B8B  }
0xa7: {  	_ =	swait.ge [sflag:s23], $0x1  }
0xa8: {  	[sflag:s23] =	ssyncset.done $0x0  }
0xa9: {  	s25 =	simm.s32 $0x1B8E;
	s24 =	sld [smem:$0x3FFE];
	[sflag:s23] =	ssyncadd.s32 $0xFFFFFFFF  }
0xaa: {  	s26 =	simm.s32 $execute0_lowered;
	[smem:$0x3FD2] =	sst s25  }
0xab: {  	s10 =	sshll.u32 s26, $0x1;
	_ =	strace $0x80000046;
	[dreg:$0x1] =	wrdreg $0xFFFFFFFF  }
0xac: {  	s28 =	simm.s32 $_size_execute0_lowered;
	s8 =	sadd.s32 s8, s10;
	[dreg:$0x0] =	wrdreg $0x0  }
0xad: {  	s10 =	sshll.u32 s28, $0x1;
	[dreg:$0x2] =	wrdreg s8  }
0xae: {  	[dreg:$0x3] =	wrdreg s10  }
0xaf: {  	[dreg:$0x4] =	wrdreg $0xC0  }
0xb0: {  	_ =	task [dreg:s12], $0x5FFFF  }
0xb1: {  	[dreg:$0x1] =	wrdreg $0xFFFFFFFF  }
0xb2: {  	[dreg:$0x0] =	wrdreg $0x60  }
0xb3: {  	[dreg:$0x2] =	wrdreg s2  }
0xb4: {  	[dreg:$0x3] =	wrdreg s18  }
0xb5: {  	[dreg:$0x4] =	wrdreg s4  }
0xb6: {  	[dreg:$0x5] =	wrdreg s5  }
0xb7: {  	[dreg:$0x6] =	wrdreg s6  }
0xb8: {  	[dreg:$0x7] =	wrdreg s7  }
0xb9: {  	[dreg:$0x8] =	wrdreg s24  }
0xba: {  	[dreg:$0x9] =	wrdreg $0x128800  }
0xbb: {  	[dreg:$0xa] =	wrdreg $0x12A800  }
0xbc: {  	[dreg:$0xb] =	wrdreg $0x108800  }
0xbd: {  	[dreg:$0xc] =	wrdreg $0x118800  }
0xbe: {  	[dreg:$0xd] =	wrdreg $0x9  }
0xbf: {  	_ =	task.clear_ibuf [dreg:s12], $0xEFFFF;
	_ =	strace $0x90000046  }
0xc0: {  	s29 =	simm.s32 $0x9;
	_ =	strace $0x8000004F  }
0xc1: {  	_ =	swait.ge [sflag:s29], $0x1  }
0xc2: {  	[sflag:s29] =	ssyncadd.s32 $0xFFFFFFFF  }
0xc3: {  	_ =	strace $0x9000004F  }
0xc4: {  	_ =	sfence  }
0xc5: {  	s30 =	sld [smem:$0x0];
	_ =	sdelay $0x2  }
0xc6: {  	s31 =	sshll.u32 s1, $0xD;
	s1 =	sshrl.u32 s1, $0x2  }
0xc7: {  	s3 =	sand.u32 $0x4000, s31;
	s1 =	sadd.s32 s1, s30  }
0xc8: {  	s0 =	sor.u32 s3, s0;
	s1 =	sshll.u32 s1, $0x11  }
0xc9: {  	s0 =	sor.u32 s1, s0  }
0xca: {  	s0 =	sadd.s32 $0x8F2B, s0  }
0xcb: {  	[sflag:s0] =	ssyncadd.remote.s32 $0x1  }
0xcc: {  	_ =	sfence.sel $0xFFFF  }
0xcd: {  	[dreg:$0x0] =	wrdreg $0xFFFFFFFF;
	(pc) =	sbr.abs _section_cstart, $3  }
0xce: {  	[dreg:$0x1] =	wrdreg $0xFFFFFFFF  }
0xcf: {  	_ =	task.clear_ibuf [dreg:s12], $0x2FFFF;
	_ =	strace $0x9FFFFFFF  }
0xd0: {  	(tm) =	ssettm $0x7FFFFFFF  }
0xd1: {  	_ =	shalt  }
tec
execute0_lowered:
.L_overlay_start_1:
0x0: {  	(tag) =	ssettag $0x1  }
0x1: {  	s0 =	rddreg [dreg:$0x0]  }
0x2: {  	s2 =	rddreg [dreg:$0x1]  }
0x3: {  	s4 =	rddreg [dreg:$0x2]  }
0x4: {  	s5 =	rddreg [dreg:$0x3]  }
0x5: {  	s6 =	rddreg [dreg:$0x4]  }
0x6: {  	s8 =	rddreg [dreg:$0x5]  }
0x7: {  	s10 =	rddreg [dreg:$0x6]  }
0x8: {  	s19 =	rddreg [dreg:$0x7]  }
0x9: {  	s1 =	srdreg.scid;
	s13 =	rddreg [dreg:$0x8]  }
0xa: {  	s22 =	stileid.u32;
	s18 =	rddreg [dreg:$0x9]  }
0xb: {  	s20 =	rddreg [dreg:$0xa];
	s28 =	simm.s32 $0x80;
	s29 =	simm.s32 $0x100  }
0xc: {  	s30 =	simm.s32 $0xA400;
	s31 =	simm.s32 $0xB400;
	s7 =	sand.u32 $0x1, s1  }
0xd: {  	s9 =	sshrl.u32 s22, $0x3;
	s11 =	sand.u32 $0x7, s22;
	s1 =	sshll.u32 s7, $0x1  }
0xe: {  	s14 =	ssub.s32 $0x2, s7;
	s15 =	smul.u32 $0x5200, s11;
	s24 =	sshll.u32 s9, $0x7  }
0xf: {  	s21 =	sshll.u32 s11, $0x9;
	p0 =	sne.s32 s11, $0x0;
	s3 =	sor.u32 s9, s1  }
0x10: {  	s16 =	sshrl.u32 s14, $0x1;
	s1 =	sadd.s32 s24, s19;
	s12 =	smul.u32 $0x29000, s3  }
0x11: {  	s23 =	ssub.s32 s14, s16;
	s25 =	sshll.u32 s3, $0xC;
	s26 =	sshll.u32 s3, $0x9  }
0x12: {  	s3 =	sadd.s32 s24, s13;
	s0 =	sadd.s32 s0, s26;
	s2 =	sadd.s32 s2, s26  }
0x13: {  	s12 =	sadd.s32 s15, s12;
	s15 =	sor.u32 s21, s25;
	[dreg:$0xc] =	wrdreg s0  }
0x14: {  	s23 =	smax.u32 s23, $0x1;
	[dreg:$0xd] =	wrdreg s2;
	s13 =	sshrl.u32 s15, $0x3  }
0x15: {  	s21 =	sadd.s32 $0xB400, s21;
	s15 =	sshrl.u32 s12, $0x3;
	s14 =	sadd.s32 s6, s13  }
0x16: {  	s0 =	sadd.s32 s8, s13;
	s16 =	sadd.s32 s4, s15;
	[dreg:$0xe] =	wrdreg s14  }
0x17: {  	s17 =	sadd.s32 $0x290, s15;
	s19 =	sadd.s32 s5, s15;
	[dreg:$0xf] =	wrdreg s0  }
0x18: {  	s25 =	sadd.s32 $0x520, s15;
	s12 =	sadd.s32 $0x7B0, s15;
	[dreg:$0x10] =	wrdreg s16  }
0x19: {  	s13 =	sshll.u32 s22, $0xC;
	[dreg:$0x11] =	wrdreg s19;
	s24 =	sadd.s32 s4, s17  }
0x1a: {  	s0 =	sadd.s32 s5, s17;
	s26 =	sadd.s32 s4, s25;
	s8 =	sadd.s32 s5, s25  }
0x1b: {  	s16 =	sshll.u32 s22, $0x7;
	s14 =	sadd.s32 s4, s12;
	[dreg:$0x12] =	wrdreg s24  }
0x1c: {  	s15 =	sadd.s32 s5, s12;
	s19 =	sshll.u32 s9, $0xF;
	[dreg:$0x13] =	wrdreg s0  }
0x1d: {  	s25 =	sshll.u32 s22, $0x1;
	s4 =	simm.s32 $0x0;
	[dreg:$0x14] =	wrdreg s26  }
0x1e: {  	[dreg:$0x15] =	wrdreg s8;
	s17 =	sor.u32 s16, s13;
	s24 =	sshll.u32 s11, $0xC  }
0x1f: {  	s26 =	sshll.u32 s7, $0x5;
	s13 =	simm.s32 $0x3;
	s0 =	sand.u32 $0x8380, s17  }
0x20: {  	s2 =	sor.u32 s24, s19;
	s19 =	simm.s32 $0x0;
	s24 =	simm.s32 $0x1  }
0x21: {  	s16 =	sadd.s32 s0, s18;
	s17 =	sadd.s32 s0, s20;
	s18 =	sadd.s32 s2, s18  }
0x22: {  	s20 =	sadd.s32 s2, s20;
	[smem:$0x7FF] =	sst s19;
	s0 =	sadd.s32 s10, s25  }
0x23: {  	s25 =	simm.s32 $0xC400;
	s2 =	simm.s32 $0x400;
	_ =	strace $0x80000047  }
0x24: {  	v0 =	vimm.f32 $0.0e+00;
	s22 =	sadd.s32 s26, s0;
	s26 =	simm.s32 $0xD400;
	s0 =	simm.s32 $0x2  }
.LBB2_1:
0x25: {  	s5 =	stileid.u32;
	s6 =	sshrl.u32 @!p0 s1, $0x3  }
0x26: {  	s7 =	simm.s32 @!p0 $0x1;
	s8 =	simm.s32 @!p0 $0x20;
	s5 =	sshll.u32 @!p0 s5, $0x6  }
0x27: {  	s9 =	simm.s32 @!p0 $0x10;
	s10 =	rddreg [dreg:$0xc];
	s5 =	sor.u32 @!p0 $0x1C03, s5  }
0x28: {  	[spmem:s6@s8], [sflag:s5] =	dma.strided @!p0 [hbm:s10@s9], $0x200, s7, $0x10   }
0x29: {  	s6 =	sshrl.u32 @!p0 s3, $0x3;
	s10 =	rddreg [dreg:$0xd]  }
0x2a: {  	[spmem:s6@s8], [sflag:s5] =	dma.strided @!p0 [hbm:s10@s9], $0x200, s7, $0x10   }
0x2b: {  	s7 =	simm.s32 $0x10400;
	s5 =	rddreg [dreg:$0xe]  }
0x2c: {  	[tilespmem:s7], [sflag:$0x3] =	stream.linear.gather [hbm4b:s5+s19], $0x200, $0x38;
	[tilespmem:$0x12C80] =	vst v63  }
0x2d: {  	s9 =	simm.s32 $0x10600;
	s8 =	rddreg [dreg:$0xf]  }
0x2e: {  	[tilespmem:s9], [sflag:$0x3] =	stream.linear.gather [hbm4b:s8+s19], $0x200, $0x38;
	[tilespmem:$0x12C80] =	vst v63  }
0x2f: {  	s10 =	rddreg [dreg:$0x10]  }
0x30: {  	[tilespmem:s19], [sflag:$0x1] =	stream.linear.gather [hbm4b:s10+s19], $0x1480, $0x38;
	[tilespmem:$0x12C80] =	vst v63  }
0x31: {  	s12 =	simm.s32 $0x5200;
	s11 =	rddreg [dreg:$0x11];
	s5 =	simm.s32 $0xC440  }
0x32: {  	[tilespmem:s12], [sflag:$0x1] =	stream.linear.gather [hbm4b:s11+s19], $0x1480, $0x38;
	[tilespmem:$0x12C80] =	vst v63  }
0x33: {  	_ =	strace $0x80000048;
	[tilespmem:s5+$0x30] =	vst v0  }
0x34: {  	[tilespmem:s5+$0xFFFFFFF0] =	vst v0  }
0x35: {  	[tilespmem:s5+$0xFFFFFFC0] =	vst v0  }
0x36: {  	[tilespmem:s5+$0xFFFFFFE0] =	vst v0  }
0x37: {  	[tilespmem:s5+$0x10] =	vst v0  }
0x38: {  	[tilespmem:s5+$0x20] =	vst v0  }
0x39: {  	[tilespmem:s5+$0x0] =	vst v0  }
0x3a: {  	s6 =	simm.s32 $0xD440;
	[tilespmem:s5+$0xFFFFFFD0] =	vst v0  }
0x3b: {  	[tilespmem:s6+$0xFFFFFFC0] =	vst v0  }
0x3c: {  	[tilespmem:s6+$0x30] =	vst v0  }
0x3d: {  	[tilespmem:s6+$0x20] =	vst v0  }
0x3e: {  	[tilespmem:s6+$0x10] =	vst v0  }
0x3f: {  	[tilespmem:s6+$0xFFFFFFE0] =	vst v0  }
0x40: {  	[tilespmem:s6+$0x0] =	vst v0  }
0x41: {  	s7 =	simm.s32 $0x0;
	[tilespmem:s6+$0xFFFFFFF0] =	vst v0  }
.LBB2_2:
0x42: {  	s7 =	sadd.s32 $0x80, s7;
	[tilespmem:s6+$0xFFFFFFD0] =	vst v0;
	s5 =	sadd.s32 $0x80, s5;
	s6 =	sadd.s32 $0x80, s6  }
0x43: {  	[tilespmem:s5+$0x30] =	vst v0;
	p1 =	slt.u32 s7, $0xF80  }
0x44: {  	[tilespmem:s5+$0xFFFFFFF0] =	vst v0  }
0x45: {  	[tilespmem:s5+$0xFFFFFFC0] =	vst v0  }
0x46: {  	[tilespmem:s6+$0xFFFFFFC0] =	vst v0  }
0x47: {  	[tilespmem:s6+$0x30] =	vst v0  }
0x48: {  	[tilespmem:s5+$0xFFFFFFE0] =	vst v0  }
0x49: {  	[tilespmem:s5+$0x10] =	vst v0  }
0x4a: {  	[tilespmem:s5+$0x20] =	vst v0  }
0x4b: {  	[tilespmem:s6+$0x20] =	vst v0  }
0x4c: {  	[tilespmem:s6+$0x10] =	vst v0  }
.Ltmp0:
0x4d: {  	[tilespmem:s6+$0xFFFFFFE0] =	vst v0;
	(pc) =	sbr.rel @p1 .LBB2_2-.Ltmp0, $4  }
0x4e: {  	[tilespmem:s5+$0x0] =	vst v0  }
0x4f: {  	[tilespmem:s6+$0x0] =	vst v0  }
0x50: {  	[tilespmem:s6+$0xFFFFFFF0] =	vst v0  }
0x51: {  	[tilespmem:s5+$0xFFFFFFD0] =	vst v0  }
0x52: {  	[tilespmem:s6+$0xFFFFFFD0] =	vst v0  }
0x53: {  	_ =	strace $0x90000048  }
0x54: {  	s5 =	simm.s32 @!p0 $0x3;
	_ =	strace $0x80000049  }
0x55: {  	_ =	swait.ge @!p0 [sflag:s5], $0x200  }
0x56: {  	[sflag:s5] =	ssyncset.done @!p0 $0x0  }
0x57: {  	[sflag:s5] =	ssyncadd.s32 @!p0 $0xFFFFFE00  }
0x58: {  	_ =	swait.ge @!p0 [sflag:s5], $0x200  }
0x59: {  	[sflag:s5] =	ssyncset.done @!p0 $0x0  }
0x5a: {  	[sflag:s5] =	ssyncadd.s32 @!p0 $0xFFFFFE00  }
0x5b: {  	[bflag:$0x0] =	sbarrier.arrive $0xFFFF  }
0x5c: {  	[tilespmem:s30], [sflag:$0x3] =	stream.strided.gather [spmem:s1], $0x1000, s29, s28, $0x200038;
	[tilespmem:$0x12C80] =	vst v63  }
0x5d: {  	_ = 	snop  }
0x5e: {  	[tilespmem:s31], [sflag:$0x3] =	stream.strided.gather [spmem:s3], $0x1000, s29, s28, $0x200038;
	[tilespmem:$0x12C80] =	vst v63  }
0x5f: {  	_ =	swait.ge [sflag:s13], $0x1000  }
0x60: {  	[sflag:s13] =	ssyncset.done $0x0  }
0x61: {  	[sflag:s13] =	ssyncadd.s32 $0xFFFFF000  }
0x62: {  	_ =	swait.ge [sflag:s13], $0x1000  }
0x63: {  	[sflag:s13] =	ssyncset.done $0x0  }
0x64: {  	[sflag:s13] =	ssyncadd.s32 $0xFFFFF000  }
0x65: {  	_ =	strace $0x90000049  }
0x66: {  	_ =	strace $0x8000004A  }
0x67: {  	_ =	swait.ge [sflag:s24], $0x1480  }
0x68: {  	[sflag:s24] =	ssyncset.done $0x0  }
0x69: {  	[sflag:s24] =	ssyncadd.s32 $0xFFFFEB80  }
0x6a: {  	_ =	swait.ge [sflag:s24], $0x1480  }
0x6b: {  	[sflag:s24] =	ssyncset.done $0x0  }
0x6c: {  	[sflag:s24] =	ssyncadd.s32 $0xFFFFEB80  }
0x6d: {  	_ =	strace $0x9000004A  }
0x6e: {  	s10 =	simm.s32 $0x1480;
	s9 =	rddreg [dreg:$0x12]  }
0x6f: {  	[tilespmem:s10], [sflag:$0x2] =	stream.linear.gather [hbm4b:s9+s19], $0x1480, $0x38;
	[tilespmem:$0x12C80] =	vst v63  }
0x70: {  	s12 =	simm.s32 $0x6680;
	s11 =	rddreg [dreg:$0x13]  }
0x71: {  	[tilespmem:s12], [sflag:$0x2] =	stream.linear.gather [hbm4b:s11+s19], $0x1480, $0x38;
	[tilespmem:$0x12C80] =	vst v63  }
0x72: {  	s7 =	simm.s32 $0x2900;
	s6 =	rddreg [dreg:$0x14]  }
0x73: {  	[tilespmem:s7], [sflag:$0x2] =	stream.linear.gather [hbm4b:s6+s19], $0x1480, $0x38;
	[tilespmem:$0x12C80] =	vst v63  }
0x74: {  	s8 =	rddreg [dreg:$0x15];
	s9 =	simm.s32 $0x7B00  }
0x75: {  	[tilespmem:s9], [sflag:$0x2] =	stream.linear.gather [hbm4b:s8+s19], $0x1480, $0x38;
	[tilespmem:$0x12C80] =	vst v63  }
0x76: {  	s10 =	simm.s32 $0x3D80  }
0x77: {  	[tilespmem:s10], [sflag:$0x2] =	stream.linear.gather [hbm4b:s14+s19], $0x1480, $0x38;
	[tilespmem:$0x12C80] =	vst v63  }
0x78: {  	s11 =	simm.s32 $0x8F80  }
0x79: {  	[tilespmem:s11], [sflag:$0x2] =	stream.linear.gather [hbm4b:s15+s19], $0x1480, $0x38;
	[tilespmem:$0x12C80] =	vst v63  }
0x7a: {  	s12 =	simm.s32 $0x5240;
	_ =	strace $0x8000004B  }
0x7b: {  	v1 =	vld [tilespmem:s12+$0x30]  }
0x7c: {  	v5 =	vld [tilespmem:s12+$0xFFFFFFC0]  }
0x7d: {  	v4 =	vld [tilespmem:s12+$0xFFFFFFD0]  }
0x7e: {  	v6 =	vld [tilespmem:s12+$0xFFFFFFE0]  }
0x7f: {  	v7 =	vld [tilespmem:s12+$0xFFFFFFF0]  }
0x80: {  	v9 =	vld [tilespmem:s12+$0x0]  }
0x81: {  	v11 =	vld [tilespmem:s12+$0x10]  }
0x82: {  	s5 =	simm.s32 $0x40;
	v13 =	vld [tilespmem:s12+$0x20]  }
0x83: {  	v17 =	vld [tilespmem:s5+$0x30]  }
0x84: {  	v25 =	vld [tilespmem:s5+$0xFFFFFFD0]  }
0x85: {  	v26 =	vld [tilespmem:s5+$0xFFFFFFE0]  }
0x86: {  	v27 =	vld [tilespmem:s5+$0xFFFFFFF0];
	v8 =	vshrl.u32 v1, $0x10  }
0x87: {  	v29 =	vld [tilespmem:s5+$0x0];
	v10 =	vshrl.u32 v5, $0x10  }
0x88: {  	v30 =	vld [tilespmem:s5+$0x10];
	v12 =	vshrl.u32 v4, $0x10  }
0x89: {  	v56 =	vld [tilespmem:s5+$0xFFFFFFC0];
	v14 =	vshrl.u32 v6, $0x10  }
0x8a: {  	v15 =	vshrl.u32 v7, $0x10;
	v28 =	vand.u32 $0xFFFF, v4;
	v4 =	vld [tilespmem:s5+$0x20]  }
0x8b: {  	v2 =	vshrl.u32 v9, $0x10;
	v16 =	vld.idx.msk [tilespmem:v8+s30+$0x0], $0xffff  }
0x8c: {  	v3 =	vshrl.u32 v11, $0x10;
	v18 =	vld.idx.msk [tilespmem:v10+s30+$0x0], $0xffff  }
0x8d: {  	v20 =	vand.u32 $0xFFFF, v1;
	v1 =	vshrl.u32 v13, $0x10;
	v19 =	vld.idx.msk [tilespmem:v12+s30+$0x0], $0xffff  }
0x8e: {  	v21 =	vld.idx.msk [tilespmem:v14+s30+$0x0], $0xffff  }
0x8f: {  	v22 =	vld.idx.msk [tilespmem:v15+s30+$0x0], $0xffff  }
0x90: {  	v23 =	vld.idx.msk [tilespmem:v2+s30+$0x0], $0xffff  }
0x91: {  	v6 =	vand.u32 $0xFFFF, v6;
	v24 =	vld.idx.msk [tilespmem:v3+s30+$0x0], $0xffff;
	v16 =	vmul.f32 v16, v17  }
0x92: {  	v7 =	vand.u32 $0xFFFF, v7;
	v53 =	vld.idx.msk [tilespmem:v1+s30+$0x0], $0xffff;
	v54 =	vmul.f32 v19, v25  }
0x93: {  	v9 =	vand.u32 $0xFFFF, v9;
	[tilespmem:v20+s25+$0x0] =	vst.idx.add.f32.msk $0xffff, v16  }
0x94: {  	v13 =	vand.u32 $0xFFFF, v13;
	v55 =	vmul.f32 v21, v26;
	[tilespmem:v28+s25+$0x0] =	vst.idx.add.f32.msk $0xffff, v54  }
0x95: {  	v5 =	vand.u32 $0xFFFF, v5;
	v57 =	vmul.f32 v22, v27;
	v16 =	vld.idx.msk [tilespmem:v20+s31+$0x0], $0xffff  }
0x96: {  	v58 =	vmul.f32 v23, v29;
	[tilespmem:v6+s25+$0x0] =	vst.idx.add.f32.msk $0xffff, v55  }
0x97: {  	v60 =	vmul.f32 v53, v4;
	[tilespmem:v7+s25+$0x0] =	vst.idx.add.f32.msk $0xffff, v57  }
0x98: {  	v61 =	vmul.f32 v18, v56;
	[tilespmem:v9+s25+$0x0] =	vst.idx.add.f32.msk $0xffff, v58  }
0x99: {  	[tilespmem:v13+s25+$0x0] =	vst.idx.add.f32.msk $0xffff, v60  }
0x9a: {  	[tilespmem:v5+s25+$0x0] =	vst.idx.add.f32.msk $0xffff, v61;
	v16 =	vmul.f32 v16, v17  }
0x9b: {  	v5 =	vld.idx.msk [tilespmem:v5+s31+$0x0], $0xffff  }
0x9c: {  	[tilespmem:v8+s26+$0x0] =	vst.idx.add.f32.msk $0xffff, v16;
	v8 =	vand.u32 $0xFFFF, v11  }
0x9d: {  	v62 =	vld.idx.msk [tilespmem:v28+s31+$0x0], $0xffff  }
0x9e: {  	v6 =	vld.idx.msk [tilespmem:v6+s31+$0x0], $0xffff  }
0x9f: {  	v59 =	vmul.f32 v24, v30;
	v63 =	vld.idx.msk [tilespmem:v7+s31+$0x0], $0xffff  }
0xa0: {  	v9 =	vld.idx.msk [tilespmem:v9+s31+$0x0], $0xffff  }
0xa1: {  	[tilespmem:v8+s25+$0x0] =	vst.idx.add.f32.msk $0xffff, v59  }
0xa2: {  	v5 =	vmul.f32 v5, v56;
	v8 =	vld.idx.msk [tilespmem:v8+s31+$0x0], $0xffff  }
0xa3: {  	v7 =	vld.idx.msk [tilespmem:v13+s31+$0x0], $0xffff;
	v11 =	vmul.f32 v62, v25  }
0xa4: {  	[tilespmem:v10+s26+$0x0] =	vst.idx.add.f32.msk $0xffff, v5;
	v5 =	vmul.f32 v6, v26  }
0xa5: {  	v6 =	vmul.f32 v63, v27;
	[tilespmem:v12+s26+$0x0] =	vst.idx.add.f32.msk $0xffff, v11  }
0xa6: {  	[tilespmem:v14+s26+$0x0] =	vst.idx.add.f32.msk $0xffff, v5  }
0xa7: {  	s6 =	simm.s32 $0x0;
	s7 =	simm.s32 $0x52C0;
	v5 =	vmul.f32 v9, v29;
	[tilespmem:v15+s26+$0x0] =	vst.idx.add.f32.msk $0xffff, v6;
	v6 =	vmul.f32 v8, v30  }
.LBB2_4:
0xa8: {  	v8 =	vld [tilespmem:s7+$0x30];
	s6 =	sadd.s32 $0x80, s6;
	v9 =	vmul.f32 v7, v4  }
0xa9: {  	v4 =	vld [tilespmem:s7+$0xFFFFFFC0];
	p1 =	slt.u32 s6, $0x1400  }
0xaa: {  	v7 =	vld [tilespmem:s7+$0xFFFFFFD0]  }
0xab: {  	v10 =	vld [tilespmem:s7+$0xFFFFFFE0]  }
0xac: {  	v11 =	vld [tilespmem:s7+$0xFFFFFFF0]  }
0xad: {  	v12 =	vld [tilespmem:s7+$0x0];
	v13 =	vshrl.u32 v8, $0x10  }
0xae: {  	v14 =	vshrl.u32 v4, $0x10;
	v15 =	vand.u32 $0xFFFF, v4;
	v4 =	vld [tilespmem:s7+$0x10]  }
0xaf: {  	v16 =	vshrl.u32 v7, $0x10;
	v7 =	vand.u32 $0xFFFF, v7;
	v17 =	vld [tilespmem:s7+$0x20]  }
0xb0: {  	v18 =	vshrl.u32 v10, $0x10;
	v10 =	vand.u32 $0xFFFF, v10;
	[tilespmem:v2+s26+$0x0] =	vst.idx.add.f32.msk $0xffff, v5  }
0xb1: {  	v19 =	vshrl.u32 v11, $0x10;
	v5 =	vand.u32 $0xFFFF, v11;
	[tilespmem:v3+s26+$0x0] =	vst.idx.add.f32.msk $0xffff, v6  }
0xb2: {  	s5 =	sadd.s32 $0x80, s5;
	v2 =	vshrl.u32 v12, $0x10;
	v6 =	vand.u32 $0xFFFF, v12;
	v11 =	vld.idx.msk [tilespmem:v13+s30+$0x0], $0xffff  }
0xb3: {  	v3 =	vshrl.u32 v4, $0x10;
	v12 =	vand.u32 $0xFFFF, v4;
	v4 =	vld [tilespmem:s5+$0x30]  }
0xb4: {  	v20 =	vld.idx.msk [tilespmem:v14+s30+$0x0], $0xffff;
	v21 =	vshrl.u32 v17, $0x10;
	v17 =	vand.u32 $0xFFFF, v17  }
0xb5: {  	v8 =	vand.u32 $0xFFFF, v8;
	v22 =	vld.idx.msk [tilespmem:v16+s30+$0x0], $0xffff  }
0xb6: {  	v23 =	vld.idx.msk [tilespmem:v18+s30+$0x0], $0xffff  }
0xb7: {  	v24 =	vld.idx.msk [tilespmem:v19+s30+$0x0], $0xffff  }
0xb8: {  	v25 =	vld.idx.msk [tilespmem:v2+s30+$0x0], $0xffff;
	v11 =	vmul.f32 v11, v4  }
0xb9: {  	v26 =	vld.idx.msk [tilespmem:v3+s30+$0x0], $0xffff  }
0xba: {  	[tilespmem:v8+s25+$0x0] =	vst.idx.add.f32.msk $0xffff, v11  }
0xbb: {  	v8 =	vld.idx.msk [tilespmem:v8+s31+$0x0], $0xffff  }
0xbc: {  	v11 =	vld.idx.msk [tilespmem:v21+s30+$0x0], $0xffff  }
0xbd: {  	v27 =	vld [tilespmem:s5+$0xFFFFFFD0]  }
0xbe: {  	v28 =	vld [tilespmem:s5+$0xFFFFFFE0]  }
0xbf: {  	v29 =	vld [tilespmem:s5+$0xFFFFFFF0]  }
0xc0: {  	v30 =	vld [tilespmem:s5+$0x0]  }
0xc1: {  	v8 =	vmul.f32 v8, v4;
	v31 =	vld [tilespmem:s5+$0x10]  }
0xc2: {  	v22 =	vmul.f32 v22, v27;
	v4 =	vld [tilespmem:s5+$0x20]  }
0xc3: {  	v23 =	vmul.f32 v23, v28;
	[tilespmem:v13+s26+$0x0] =	vst.idx.add.f32.msk $0xffff, v8  }
0xc4: {  	v8 =	vld [tilespmem:s5+$0xFFFFFFC0];
	v13 =	vmul.f32 v24, v29  }
0xc5: {  	[tilespmem:v7+s25+$0x0] =	vst.idx.add.f32.msk $0xffff, v22;
	v22 =	vmul.f32 v25, v30  }
0xc6: {  	[tilespmem:v10+s25+$0x0] =	vst.idx.add.f32.msk $0xffff, v23;
	v23 =	vmul.f32 v26, v31  }
0xc7: {  	[tilespmem:v5+s25+$0x0] =	vst.idx.add.f32.msk $0xffff, v13;
	v11 =	vmul.f32 v11, v4  }
0xc8: {  	[tilespmem:v6+s25+$0x0] =	vst.idx.add.f32.msk $0xffff, v22  }
0xc9: {  	v13 =	vmul.f32 v20, v8;
	[tilespmem:v12+s25+$0x0] =	vst.idx.add.f32.msk $0xffff, v23  }
0xca: {  	[tilespmem:v17+s25+$0x0] =	vst.idx.add.f32.msk $0xffff, v11  }
0xcb: {  	[tilespmem:v15+s25+$0x0] =	vst.idx.add.f32.msk $0xffff, v13  }
0xcc: {  	v11 =	vld.idx.msk [tilespmem:v15+s31+$0x0], $0xffff  }
0xcd: {  	v13 =	vld.idx.msk [tilespmem:v7+s31+$0x0], $0xffff  }
0xce: {  	v10 =	vld.idx.msk [tilespmem:v10+s31+$0x0], $0xffff  }
0xcf: {  	v5 =	vld.idx.msk [tilespmem:v5+s31+$0x0], $0xffff  }
0xd0: {  	v6 =	vld.idx.msk [tilespmem:v6+s31+$0x0], $0xffff  }
0xd1: {  	v12 =	vld.idx.msk [tilespmem:v12+s31+$0x0], $0xffff  }
0xd2: {  	v8 =	vmul.f32 v11, v8;
	v7 =	vld.idx.msk [tilespmem:v17+s31+$0x0], $0xffff  }
.Ltmp1:
0xd3: {  	v11 =	vmul.f32 v13, v27;
	[tilespmem:v1+s26+$0x0] =	vst.idx.add.f32.msk $0xffff, v9;
	v1 =	vmov v21;
	(pc) =	sbr.rel @p1 .LBB2_4-.Ltmp1, $4  }
0xd4: {  	[tilespmem:v14+s26+$0x0] =	vst.idx.add.f32.msk $0xffff, v8;
	v8 =	vmul.f32 v10, v28  }
0xd5: {  	v9 =	vmul.f32 v5, v29;
	[tilespmem:v16+s26+$0x0] =	vst.idx.add.f32.msk $0xffff, v11  }
0xd6: {  	v5 =	vmul.f32 v6, v30;
	[tilespmem:v18+s26+$0x0] =	vst.idx.add.f32.msk $0xffff, v8  }
0xd7: {  	s7 =	sadd.s32 $0x80, s7;
	v6 =	vmul.f32 v12, v31;
	[tilespmem:v19+s26+$0x0] =	vst.idx.add.f32.msk $0xffff, v9  }
0xd8: {  	_ =	sdelay $0x3  }
0xd9: {  	v4 =	vmul.f32 v7, v4;
	[tilespmem:v2+s26+$0x0] =	vst.idx.add.f32.msk $0xffff, v5  }
0xda: {  	[tilespmem:v3+s26+$0x0] =	vst.idx.add.f32.msk $0xffff, v6  }
0xdb: {  	[tilespmem:v1+s26+$0x0] =	vst.idx.add.f32.msk $0xffff, v4  }
0xdc: {  	_ =	swait.ge [sflag:s0], $0x1480  }
0xdd: {  	[sflag:s0] =	ssyncset.done $0x0  }
0xde: {  	[sflag:s0] =	ssyncadd.s32 $0xFFFFEB80  }
0xdf: {  	_ =	swait.ge [sflag:s0], $0x1480  }
0xe0: {  	[sflag:s0] =	ssyncset.done $0x0  }
0xe1: {  	[sflag:s0] =	ssyncadd.s32 $0xFFFFEB80  }
0xe2: {  	_ =	swait.ge [sflag:s0], $0x1480  }
0xe3: {  	[sflag:s0] =	ssyncset.done $0x0  }
0xe4: {  	[sflag:s0] =	ssyncadd.s32 $0xFFFFEB80  }
0xe5: {  	_ =	swait.ge [sflag:s0], $0x1480  }
0xe6: {  	[sflag:s0] =	ssyncset.done $0x0  }
0xe7: {  	[sflag:s0] =	ssyncadd.s32 $0xFFFFEB80  }
0xe8: {  	_ =	swait.ge [sflag:s0], $0x1480  }
0xe9: {  	[sflag:s0] =	ssyncset.done $0x0  }
0xea: {  	[sflag:s0] =	ssyncadd.s32 $0xFFFFEB80  }
0xeb: {  	_ =	swait.ge [sflag:s0], $0x1480  }
0xec: {  	[sflag:s0] =	ssyncset.done $0x0  }
0xed: {  	s5 =	simm.s32 $0x66F0;
	[sflag:s0] =	ssyncadd.s32 $0xFFFFEB80  }
0xee: {  	v1 =	vld [tilespmem:s5+$0x0]  }
0xef: {  	v5 =	vld [tilespmem:s5+$0xFFFFFF90]  }
0xf0: {  	v4 =	vld [tilespmem:s5+$0xFFFFFFA0]  }
0xf1: {  	v6 =	vld [tilespmem:s5+$0xFFFFFFB0]  }
0xf2: {  	v7 =	vld [tilespmem:s5+$0xFFFFFFC0]  }
0xf3: {  	v9 =	vld [tilespmem:s5+$0xFFFFFFD0]  }
0xf4: {  	v11 =	vld [tilespmem:s5+$0xFFFFFFE0]  }
0xf5: {  	v13 =	vld [tilespmem:s5+$0xFFFFFFF0];
	s5 =	simm.s32 $0x14F0  }
0xf6: {  	v17 =	vld [tilespmem:s5+$0x0]  }
0xf7: {  	v25 =	vld [tilespmem:s5+$0xFFFFFFA0]  }
0xf8: {  	v26 =	vld [tilespmem:s5+$0xFFFFFFB0]  }
0xf9: {  	v27 =	vld [tilespmem:s5+$0xFFFFFFC0];
	v8 =	vshrl.u32 v1, $0x10  }
0xfa: {  	v29 =	vld [tilespmem:s5+$0xFFFFFFD0];
	v10 =	vshrl.u32 v5, $0x10  }
0xfb: {  	v30 =	vld [tilespmem:s5+$0xFFFFFFE0];
	v12 =	vshrl.u32 v4, $0x10  }
0xfc: {  	v56 =	vld [tilespmem:s5+$0xFFFFFF90];
	v14 =	vshrl.u32 v6, $0x10  }
0xfd: {  	v15 =	vshrl.u32 v7, $0x10;
	v28 =	vand.u32 $0xFFFF, v4;
	v4 =	vld [tilespmem:s5+$0xFFFFFFF0]  }
0xfe: {  	v2 =	vshrl.u32 v9, $0x10;
	v16 =	vld.idx.msk [tilespmem:v8+s30+$0x0], $0xffff  }
0xff: {  	v3 =	vshrl.u32 v11, $0x10;
	v18 =	vld.idx.msk [tilespmem:v10+s30+$0x0], $0xffff  }
0x100: {  	v20 =	vand.u32 $0xFFFF, v1;
	v1 =	vshrl.u32 v13, $0x10;
	v19 =	vld.idx.msk [tilespmem:v12+s30+$0x0], $0xffff  }
0x101: {  	v21 =	vld.idx.msk [tilespmem:v14+s30+$0x0], $0xffff  }
0x102: {  	v22 =	vld.idx.msk [tilespmem:v15+s30+$0x0], $0xffff  }
0x103: {  	v23 =	vld.idx.msk [tilespmem:v2+s30+$0x0], $0xffff  }
0x104: {  	v6 =	vand.u32 $0xFFFF, v6;
	v24 =	vld.idx.msk [tilespmem:v3+s30+$0x0], $0xffff;
	v16 =	vmul.f32 v16, v17  }
0x105: {  	v7 =	vand.u32 $0xFFFF, v7;
	v53 =	vld.idx.msk [tilespmem:v1+s30+$0x0], $0xffff;
	v54 =	vmul.f32 v19, v25  }
0x106: {  	v9 =	vand.u32 $0xFFFF, v9;
	[tilespmem:v20+s25+$0x0] =	vst.idx.add.f32.msk $0xffff, v16  }
0x107: {  	v13 =	vand.u32 $0xFFFF, v13;
	v55 =	vmul.f32 v21, v26;
	[tilespmem:v28+s25+$0x0] =	vst.idx.add.f32.msk $0xffff, v54  }
0x108: {  	v5 =	vand.u32 $0xFFFF, v5;
	v57 =	vmul.f32 v22, v27;
	v16 =	vld.idx.msk [tilespmem:v20+s31+$0x0], $0xffff  }
0x109: {  	v58 =	vmul.f32 v23, v29;
	[tilespmem:v6+s25+$0x0] =	vst.idx.add.f32.msk $0xffff, v55  }
0x10a: {  	v60 =	vmul.f32 v53, v4;
	[tilespmem:v7+s25+$0x0] =	vst.idx.add.f32.msk $0xffff, v57  }
0x10b: {  	v61 =	vmul.f32 v18, v56;
	[tilespmem:v9+s25+$0x0] =	vst.idx.add.f32.msk $0xffff, v58  }
0x10c: {  	[tilespmem:v13+s25+$0x0] =	vst.idx.add.f32.msk $0xffff, v60  }
0x10d: {  	[tilespmem:v5+s25+$0x0] =	vst.idx.add.f32.msk $0xffff, v61;
	v16 =	vmul.f32 v16, v17  }
0x10e: {  	v5 =	vld.idx.msk [tilespmem:v5+s31+$0x0], $0xffff  }
0x10f: {  	[tilespmem:v8+s26+$0x0] =	vst.idx.add.f32.msk $0xffff, v16;
	v8 =	vand.u32 $0xFFFF, v11  }
0x110: {  	v62 =	vld.idx.msk [tilespmem:v28+s31+$0x0], $0xffff  }
0x111: {  	v6 =	vld.idx.msk [tilespmem:v6+s31+$0x0], $0xffff  }
0x112: {  	v59 =	vmul.f32 v24, v30;
	v63 =	vld.idx.msk [tilespmem:v7+s31+$0x0], $0xffff  }
0x113: {  	v9 =	vld.idx.msk [tilespmem:v9+s31+$0x0], $0xffff  }
0x114: {  	[tilespmem:v8+s25+$0x0] =	vst.idx.add.f32.msk $0xffff, v59  }
0x115: {  	v5 =	vmul.f32 v5, v56;
	v8 =	vld.idx.msk [tilespmem:v8+s31+$0x0], $0xffff  }
0x116: {  	v7 =	vld.idx.msk [tilespmem:v13+s31+$0x0], $0xffff;
	v11 =	vmul.f32 v62, v25  }
0x117: {  	[tilespmem:v10+s26+$0x0] =	vst.idx.add.f32.msk $0xffff, v5;
	v5 =	vmul.f32 v6, v26  }
0x118: {  	v6 =	vmul.f32 v63, v27;
	[tilespmem:v12+s26+$0x0] =	vst.idx.add.f32.msk $0xffff, v11  }
0x119: {  	[tilespmem:v14+s26+$0x0] =	vst.idx.add.f32.msk $0xffff, v5  }
0x11a: {  	s6 =	simm.s32 $0x1480;
	s7 =	simm.s32 $0x6770;
	v5 =	vmul.f32 v9, v29;
	[tilespmem:v15+s26+$0x0] =	vst.idx.add.f32.msk $0xffff, v6;
	v6 =	vmul.f32 v8, v30  }
.LBB2_6:
0x11b: {  	v8 =	vld [tilespmem:s7+$0x0];
	s6 =	sadd.s32 $0x80, s6;
	v9 =	vmul.f32 v7, v4  }
0x11c: {  	v4 =	vld [tilespmem:s7+$0xFFFFFF90];
	p1 =	slt.u32 s6, $0x5180  }
0x11d: {  	v7 =	vld [tilespmem:s7+$0xFFFFFFA0]  }
0x11e: {  	v10 =	vld [tilespmem:s7+$0xFFFFFFB0]  }
0x11f: {  	v11 =	vld [tilespmem:s7+$0xFFFFFFC0]  }
0x120: {  	v12 =	vld [tilespmem:s7+$0xFFFFFFD0];
	v13 =	vshrl.u32 v8, $0x10  }
0x121: {  	v14 =	vshrl.u32 v4, $0x10;
	v15 =	vand.u32 $0xFFFF, v4;
	v4 =	vld [tilespmem:s7+$0xFFFFFFE0]  }
0x122: {  	v16 =	vshrl.u32 v7, $0x10;
	v7 =	vand.u32 $0xFFFF, v7;
	v17 =	vld [tilespmem:s7+$0xFFFFFFF0]  }
0x123: {  	v18 =	vshrl.u32 v10, $0x10;
	v10 =	vand.u32 $0xFFFF, v10;
	[tilespmem:v2+s26+$0x0] =	vst.idx.add.f32.msk $0xffff, v5  }
0x124: {  	v19 =	vshrl.u32 v11, $0x10;
	v5 =	vand.u32 $0xFFFF, v11;
	[tilespmem:v3+s26+$0x0] =	vst.idx.add.f32.msk $0xffff, v6  }
0x125: {  	s5 =	sadd.s32 $0x80, s5;
	v2 =	vshrl.u32 v12, $0x10;
	v6 =	vand.u32 $0xFFFF, v12;
	v11 =	vld.idx.msk [tilespmem:v13+s30+$0x0], $0xffff  }
0x126: {  	v3 =	vshrl.u32 v4, $0x10;
	v12 =	vand.u32 $0xFFFF, v4;
	v4 =	vld [tilespmem:s5+$0x0]  }
0x127: {  	v20 =	vld.idx.msk [tilespmem:v14+s30+$0x0], $0xffff;
	v21 =	vshrl.u32 v17, $0x10;
	v17 =	vand.u32 $0xFFFF, v17  }
0x128: {  	v8 =	vand.u32 $0xFFFF, v8;
	v22 =	vld.idx.msk [tilespmem:v16+s30+$0x0], $0xffff  }
0x129: {  	v23 =	vld.idx.msk [tilespmem:v18+s30+$0x0], $0xffff  }
0x12a: {  	v24 =	vld.idx.msk [tilespmem:v19+s30+$0x0], $0xffff  }
0x12b: {  	v25 =	vld.idx.msk [tilespmem:v2+s30+$0x0], $0xffff;
	v11 =	vmul.f32 v11, v4  }
0x12c: {  	v26 =	vld.idx.msk [tilespmem:v3+s30+$0x0], $0xffff  }
0x12d: {  	[tilespmem:v8+s25+$0x0] =	vst.idx.add.f32.msk $0xffff, v11  }
0x12e: {  	v8 =	vld.idx.msk [tilespmem:v8+s31+$0x0], $0xffff  }
0x12f: {  	v11 =	vld.idx.msk [tilespmem:v21+s30+$0x0], $0xffff  }
0x130: {  	v27 =	vld [tilespmem:s5+$0xFFFFFFA0]  }
0x131: {  	v28 =	vld [tilespmem:s5+$0xFFFFFFB0]  }
0x132: {  	v29 =	vld [tilespmem:s5+$0xFFFFFFC0]  }
0x133: {  	v30 =	vld [tilespmem:s5+$0xFFFFFFD0]  }
0x134: {  	v8 =	vmul.f32 v8, v4;
	v31 =	vld [tilespmem:s5+$0xFFFFFFE0]  }
0x135: {  	v22 =	vmul.f32 v22, v27;
	v4 =	vld [tilespmem:s5+$0xFFFFFFF0]  }
0x136: {  	v23 =	vmul.f32 v23, v28;
	[tilespmem:v13+s26+$0x0] =	vst.idx.add.f32.msk $0xffff, v8  }
0x137: {  	v8 =	vld [tilespmem:s5+$0xFFFFFF90];
	v13 =	vmul.f32 v24, v29  }
0x138: {  	[tilespmem:v7+s25+$0x0] =	vst.idx.add.f32.msk $0xffff, v22;
	v22 =	vmul.f32 v25, v30  }
0x139: {  	[tilespmem:v10+s25+$0x0] =	vst.idx.add.f32.msk $0xffff, v23;
	v23 =	vmul.f32 v26, v31  }
0x13a: {  	[tilespmem:v5+s25+$0x0] =	vst.idx.add.f32.msk $0xffff, v13;
	v11 =	vmul.f32 v11, v4  }
0x13b: {  	[tilespmem:v6+s25+$0x0] =	vst.idx.add.f32.msk $0xffff, v22  }
0x13c: {  	v13 =	vmul.f32 v20, v8;
	[tilespmem:v12+s25+$0x0] =	vst.idx.add.f32.msk $0xffff, v23  }
0x13d: {  	[tilespmem:v17+s25+$0x0] =	vst.idx.add.f32.msk $0xffff, v11  }
0x13e: {  	[tilespmem:v15+s25+$0x0] =	vst.idx.add.f32.msk $0xffff, v13  }
0x13f: {  	v11 =	vld.idx.msk [tilespmem:v15+s31+$0x0], $0xffff  }
0x140: {  	v13 =	vld.idx.msk [tilespmem:v7+s31+$0x0], $0xffff  }
0x141: {  	v10 =	vld.idx.msk [tilespmem:v10+s31+$0x0], $0xffff  }
0x142: {  	v5 =	vld.idx.msk [tilespmem:v5+s31+$0x0], $0xffff  }
0x143: {  	v6 =	vld.idx.msk [tilespmem:v6+s31+$0x0], $0xffff  }
0x144: {  	v12 =	vld.idx.msk [tilespmem:v12+s31+$0x0], $0xffff  }
0x145: {  	v8 =	vmul.f32 v11, v8;
	v7 =	vld.idx.msk [tilespmem:v17+s31+$0x0], $0xffff  }
.Ltmp2:
0x146: {  	v11 =	vmul.f32 v13, v27;
	[tilespmem:v1+s26+$0x0] =	vst.idx.add.f32.msk $0xffff, v9;
	v1 =	vmov v21;
	(pc) =	sbr.rel @p1 .LBB2_6-.Ltmp2, $4  }
0x147: {  	[tilespmem:v14+s26+$0x0] =	vst.idx.add.f32.msk $0xffff, v8;
	v8 =	vmul.f32 v10, v28  }
0x148: {  	v9 =	vmul.f32 v5, v29;
	[tilespmem:v16+s26+$0x0] =	vst.idx.add.f32.msk $0xffff, v11  }
0x149: {  	v5 =	vmul.f32 v6, v30;
	[tilespmem:v18+s26+$0x0] =	vst.idx.add.f32.msk $0xffff, v8  }
0x14a: {  	s7 =	sadd.s32 $0x80, s7;
	v6 =	vmul.f32 v12, v31;
	[tilespmem:v19+s26+$0x0] =	vst.idx.add.f32.msk $0xffff, v9  }
0x14b: {  	_ =	sdelay $0x3  }
0x14c: {  	v4 =	vmul.f32 v7, v4;
	[tilespmem:v2+s26+$0x0] =	vst.idx.add.f32.msk $0xffff, v5  }
0x14d: {  	[tilespmem:v3+s26+$0x0] =	vst.idx.add.f32.msk $0xffff, v6  }
0x14e: {  	[tilespmem:v1+s26+$0x0] =	vst.idx.add.f32.msk $0xffff, v4  }
0x14f: {  	_ =	strace $0x9000004B  }
0x150: {  	_ =	strace $0x8000004C  }
0x151: {  	[spmem:s16] =	stream.strided.scatter [tilespmem:s25], [sflag:$0x3], $0x1000, s2, s28, $0x200038;
	[tilespmem:$0x12C80] =	vst v63  }
0x152: {  	_ = 	snop  }
0x153: {  	[spmem:s17] =	stream.strided.scatter [tilespmem:s26], [sflag:$0x3], $0x1000, s2, s28, $0x200038;
	[tilespmem:$0x12C80] =	vst v63  }
0x154: {  	_ =	swait.ge [sflag:s13], $0x1000  }
0x155: {  	[sflag:s13] =	ssyncset.done $0x0  }
0x156: {  	[sflag:s13] =	ssyncadd.s32 $0xFFFFF000  }
0x157: {  	_ =	swait.ge [sflag:s13], $0x1000  }
0x158: {  	[sflag:s13] =	ssyncset.done $0x0  }
0x159: {  	[sflag:s13] =	ssyncadd.s32 $0xFFFFF000  }
0x15a: {  	[bflag:$0x0] =	sbarrier.arrive $0xFFFF  }
0x15b: {  	s5 =	simm.s32 $0xE400;
	_ =	strace $0x9000004C  }
0x15c: {  	[tilespmem:s5], [sflag:$0x3] =	stream.linear.gather [spmem:s18], $0x1000, $0x38;
	[tilespmem:$0x12C80] =	vst v63  }
0x15d: {  	s10 =	simm.s32 $0xF400  }
0x15e: {  	[tilespmem:s10], [sflag:$0x3] =	stream.linear.gather [spmem:s20], $0x1000, $0x38;
	[tilespmem:$0x12C80] =	vst v63  }
0x15f: {  	_ =	strace $0x8000004D  }
0x160: {  	_ =	swait.ge [sflag:s13], $0x1000  }
0x161: {  	[sflag:s13] =	ssyncset.done $0x0  }
0x162: {  	[sflag:s13] =	ssyncadd.s32 $0xFFFFF000  }
0x163: {  	_ =	swait.ge [sflag:s13], $0x1000  }
0x164: {  	[sflag:s13] =	ssyncset.done $0x0  }
0x165: {  	[sflag:s13] =	ssyncadd.s32 $0xFFFFF000  }
0x166: {  	_ =	strace $0x9000004D  }
0x167: {  	_ =	swait.ge [sflag:s13], $0x200  }
0x168: {  	[sflag:s13] =	ssyncset.done $0x0  }
0x169: {  	[sflag:s13] =	ssyncadd.s32 $0xFFFFFE00  }
0x16a: {  	_ =	swait.ge [sflag:s13], $0x200  }
0x16b: {  	s11 =	simm.s32 $0x0;
	[sflag:s13] =	ssyncset.done $0x0  }
0x16c: {  	s7 =	sand.u32 $0x70, s11;
	s6 =	sand.u32 $0xC00, s11;
	[sflag:s13] =	ssyncadd.s32 $0xFFFFFE00  }
0x16d: {  	s8 =	sor.u32 s7, s6;
	_ =	strace $0x8000004E  }
0x16e: {  	v1 =	vld [tilespmem:s8+$0xE400]  }
0x16f: {  	v2 =	vld [tilespmem:s8+$0xE480]  }
0x170: {  	v3 =	vld [tilespmem:s8+$0xF400]  }
0x171: {  	s6 =	sor.u32 s6, s11;
	v4 =	vld [tilespmem:s8+$0xE500]  }
0x172: {  	s6 =	sor.u32 $0x180, s6;
	v5 =	vld [tilespmem:s8+$0xF480]  }
0x173: {  	v6 =	vld [tilespmem:s6+$0xE400]  }
0x174: {  	v1 =	vadd.f32 v2, v1;
	v2 =	vld [tilespmem:s8+$0xF500]  }
0x175: {  	v7 =	vld [tilespmem:s8+$0xE600]  }
0x176: {  	v1 =	vadd.f32 v4, v1;
	v4 =	vld [tilespmem:s6+$0xF400]  }
0x177: {  	v8 =	vld [tilespmem:s8+$0xE680];
	v3 =	vadd.f32 v5, v3  }
0x178: {  	v5 =	vld [tilespmem:s8+$0xF600];
	v1 =	vadd.f32 v6, v1  }
0x179: {  	s12 =	sor.u32 s11, s11;
	v6 =	vld [tilespmem:s8+$0xE700];
	v2 =	vadd.f32 v2, v3  }
0x17a: {  	s9 =	sor.u32 $0x380, s12;
	v3 =	vld [tilespmem:s8+$0xF680];
	v1 =	vadd.f32 v7, v1  }
0x17b: {  	v9 =	vld [tilespmem:s9+$0xE400];
	v2 =	vadd.f32 v4, v2  }
0x17c: {  	s5 =	sand.u32 $0x180, s11;
	s6 =	simm.s32 $0x10400;
	v7 =	vld [tilespmem:s8+$0xF700];
	v1 =	vadd.f32 v8, v1  }
0x17d: {  	s5 =	sadd.s32 s5, s21;
	v4 =	vadd.f32 v5, v2;
	v5 =	vld [tilespmem:s6+$0x0]  }
0x17e: {  	s10 =	sadd.s32 s7, s5;
	s8 =	simm.s32 $0x10;
	v8 =	vld [tilespmem:s9+$0xF400];
	s9 =	simm.s32 $0x80;
	v1 =	vadd.f32 v6, v1  }
0x17f: {  	s5 =	simm.s32 $0x10600;
	s7 =	sand.u32 $0x70, s8;
	v2 =	vimm.f32 $0.0e+00;
	s12 =	sand.u32 $0xC00, s9;
	v6 =	vld [tilespmem:s10+$0x0];
	v11 =	vadd.f32 v3, v4;
	v3 =	vimm.f32 $0.0e+00  }
0x180: {  	s11 =	simm.s32 $0x20;
	s10 =	sor.u32 s7, s12;
	v4 =	vimm.f32 $0.0e+00;
	v10 =	vadd.f32 v9, v1;
	v9 =	vld [tilespmem:s5+$0x0];
	v1 =	vimm.f32 $0.0e+00  }
.LBB2_8:
0x181: {  	p1 =	sne.s32 s11, $0x1F0;
	v12 =	vld [tilespmem:s10+$0xE400];
	v7 =	vadd.f32 v7, v11  }
0x182: {  	v11 =	vld [tilespmem:s10+$0xE480];
	v5 =	vsub.f32 v10, v5  }
0x183: {  	v10 =	vld [tilespmem:s10+$0xF400];
	v7 =	vadd.f32 v8, v7  }
0x184: {  	s12 =	sor.u32 s12, s8;
	v8 =	vld [tilespmem:s10+$0xE500];
	v13 =	vmax.f32 v5, $0.0e+00;
	v14 =	vsub.f32 $0.0e+00, v6;
	v5 =	vmul.f32 v6, v5  }
0x185: {  	s12 =	sor.u32 $0x180, s12;
	v6 =	vld [tilespmem:s10+$0xF480];
	v7 =	vadd.f32 v9, v7;
	v9 =	vmul.f32 v13, v13  }
0x186: {  	v13 =	vld [tilespmem:s12+$0xE400];
	v14 =	vmax.f32 v14, $0.0e+00;
	v5 =	vmul.f32 v5, v5  }
0x187: {  	v11 =	vadd.f32 v11, v12;
	v12 =	vld [tilespmem:s10+$0xF500];
	v14 =	vmul.f32 v14, v14;
	v7 =	vmul.f32 v7, v7  }
0x188: {  	v2 =	vadd.f32 v9, v2;
	v15 =	vld [tilespmem:s10+$0xE600];
	v1 =	vadd.f32 v5, v1  }
0x189: {  	v5 =	vadd.f32 v8, v11;
	v8 =	vld [tilespmem:s12+$0xF400];
	v3 =	vadd.f32 v7, v3  }
0x18a: {  	v4 =	vadd.f32 v14, v4;
	v6 =	vadd.f32 v6, v10;
	v7 =	vld [tilespmem:s10+$0xE680]  }
0x18b: {  	v5 =	vadd.f32 v13, v5;
	v9 =	vld [tilespmem:s10+$0xF600]  }
0x18c: {  	s12 =	sor.u32 s9, s8;
	v6 =	vadd.f32 v12, v6;
	v10 =	vld [tilespmem:s10+$0xE700]  }
0x18d: {  	s12 =	sor.u32 $0x380, s12;
	v5 =	vadd.f32 v15, v5;
	v11 =	vld [tilespmem:s10+$0xF680]  }
0x18e: {  	v6 =	vadd.f32 v8, v6;
	v12 =	vld [tilespmem:s12+$0xE400]  }
.Ltmp3:
0x18f: {  	s6 =	sadd.s32 $0x10, s6;
	s8 =	sand.u32 $0x180, s8;
	v8 =	vadd.f32 v7, v5;
	v7 =	vld [tilespmem:s10+$0xF700];
	(pc) =	sbr.rel @p1 .LBB2_8-.Ltmp3, $4  }
0x190: {  	s10 =	sadd.s32 s8, s21;
	s8 =	smov.u32 s11;
	v6 =	vadd.f32 v9, v6;
	v5 =	vld [tilespmem:s6+$0x0]  }
0x191: {  	s9 =	sadd.s32 $0x80, s9;
	s10 =	sadd.s32 s7, s10;
	v9 =	vadd.f32 v10, v8;
	v8 =	vld [tilespmem:s12+$0xF400]  }
0x192: {  	s5 =	sadd.s32 $0x10, s5;
	s7 =	sand.u32 $0x70, s11;
	s12 =	sand.u32 $0xC00, s9;
	v11 =	vadd.f32 v11, v6;
	v6 =	vld [tilespmem:s10+$0x0]  }
0x193: {  	s11 =	sadd.s32 $0x10, s11;
	s10 =	sor.u32 s7, s12;
	v10 =	vadd.f32 v12, v9;
	v9 =	vld [tilespmem:s5+$0x0]  }
0x194: {  	v12 =	vld [tilespmem:s10+$0xE400]  }
0x195: {  	v13 =	vld [tilespmem:s10+$0xE480]  }
0x196: {  	v14 =	vld [tilespmem:s10+$0xF400]  }
0x197: {  	v15 =	vld [tilespmem:s10+$0xE500]  }
0x198: {  	s11 =	sor.u32 s12, s8;
	v16 =	vld [tilespmem:s10+$0xF480]  }
0x199: {  	v18 =	vld [tilespmem:s10+$0xF500];
	s11 =	sor.u32 $0x180, s11  }
0x19a: {  	v17 =	vld [tilespmem:s11+$0xE400]  }
0x19b: {  	v40 =	vld [tilespmem:s10+$0xE600];
	v12 =	vadd.f32 v13, v12  }
0x19c: {  	v41 =	vld [tilespmem:s10+$0xE680]  }
0x19d: {  	v19 =	vld [tilespmem:s11+$0xF400];
	v12 =	vadd.f32 v15, v12  }
0x19e: {  	v42 =	vld [tilespmem:s10+$0xF600];
	v14 =	vadd.f32 v16, v14  }
0x19f: {  	v43 =	vld [tilespmem:s10+$0xE700];
	v12 =	vadd.f32 v17, v12  }
0x1a0: {  	s9 =	sor.u32 s9, s8;
	v44 =	vld [tilespmem:s10+$0xF680];
	s12 =	sand.u32 $0x180, s8;
	v14 =	vadd.f32 v18, v14  }
0x1a1: {  	v48 =	vld [tilespmem:s10+$0xF700];
	s9 =	sor.u32 $0x380, s9;
	s8 =	sadd.s32 s12, s21;
	v45 =	vadd.f32 v40, v12  }
0x1a2: {  	v46 =	vld [tilespmem:s9+$0xE400];
	s11 =	sadd.s32 s7, s8;
	v47 =	vadd.f32 v19, v14  }
0x1a3: {  	v7 =	vadd.f32 v7, v11;
	s6 =	sadd.s32 $0x10, s6;
	v52 =	vld [tilespmem:s11+$0x0];
	v49 =	vadd.f32 v41, v45  }
0x1a4: {  	v50 =	vld [tilespmem:s6+$0x0];
	v5 =	vsub.f32 v10, v5;
	v51 =	vadd.f32 v42, v47  }
0x1a5: {  	v7 =	vadd.f32 v8, v7;
	v53 =	vld [tilespmem:s9+$0xF400];
	v8 =	vadd.f32 v43, v49  }
0x1a6: {  	s5 =	sadd.s32 $0x10, s5;
	v54 =	vsub.f32 $0.0e+00, v6;
	v55 =	vmul.f32 v6, v5;
	v10 =	vadd.f32 v44, v51  }
0x1a7: {  	v56 =	vld [tilespmem:s5+$0x0];
	v5 =	vmax.f32 v5, $0.0e+00;
	v7 =	vadd.f32 v9, v7;
	v8 =	vadd.f32 v46, v8  }
0x1a8: {  	v15 =	vmax.f32 v54, $0.0e+00;
	v58 =	vsub.f32 $0.0e+00, v52;
	v10 =	vadd.f32 v48, v10  }
0x1a9: {  	v5 =	vmul.f32 v5, v5;
	v57 =	vmul.f32 v15, v15;
	v8 =	vsub.f32 v8, v50  }
0x1aa: {  	v7 =	vmul.f32 v7, v7;
	v61 =	vmax.f32 v58, $0.0e+00;
	v59 =	vadd.f32 v53, v10  }
0x1ab: {  	v4 =	vadd.f32 v57, v4;
	v10 =	vmul.f32 v61, v61;
	v60 =	vmax.f32 v8, $0.0e+00  }
0x1ac: {  	v2 =	vadd.f32 v5, v2;
	v5 =	vadd.f32 v56, v59;
	v9 =	vmul.f32 v60, v60  }
0x1ad: {  	v6 =	vmul.f32 v55, v55;
	v3 =	vadd.f32 v7, v3;
	v4 =	vadd.f32 v10, v4  }
0x1ae: {  	v62 =	vmul.f32 v52, v8;
	v5 =	vmul.f32 v5, v5;
	v2 =	vadd.f32 v9, v2  }
0x1af: {  	v1 =	vadd.f32 v6, v1;
	v4 =	vmul.f32 $1.000000010e-01, v4  }
0x1b0: {  	v63 =	vmul.f32 v62, v62;
	v3 =	vadd.f32 v5, v3;
	v2 =	vmul.f32 $1.000000010e-01, v2;
	_ =	sdelay $0x1  }
0x1b1: {  	v1 =	vadd.f32 v63, v1;
	v3 =	vmul.f32 $6.000000240e-01, v3;
	v2 =	vadd.f32 v4, v2;
	_ =	sdelay $0x1  }
0x1b2: {  	v1 =	vmul.f32 $2.000000030e-01, v1;
	v2 =	vadd.f32 v3, v2;
	_ =	sdelay $0x1  }
0x1b3: {  	v1 =	vadd.f32 v1, v2;
	_ =	sdelay $0x1  }
0x1b4: {  	s4 =	sadd.s32 $0x1, s4;
	v1 =	vmul.f32 $6.103515630e-05, v1  }
0x1b5: {  	p1 =	sne.s32 s4, s23  }
.Ltmp4:
0x1b6: {  	s12 =	simm.s32 $0x10800;
	_ =	strace $0x9000004E;
	[tilespmem:$0x10800] =	vst v1;
	(pc) =	sbr.rel @p1 .LBB2_1-.Ltmp4, $4  }
0x1b7: {  	[hbm4b:s22+s19] =	stream.linear.scatter [tilespmem:s12], [sflag:$0x3], $0x10, $0x38;
	[tilespmem:$0x12C80] =	vst v63  }
0x1b8: {  	_ =	swait.ge [sflag:s13], $0x10  }
0x1b9: {  	[sflag:s13] =	ssyncset.done $0x0  }
0x1ba: {  	[sflag:s13] =	ssyncadd.s32 $0xFFFFFFF0  }
0x1bb: {  	_ =	sfence.sel $0x180000  }
0x1bc: {  	[bflag:$0x0] =	sbarrier.arrive $0xFFFF  }
0x1bd: {  	_ =	strace $0x90000047  }
0x1be: {  	s0 =	stileid.u32;
	[bflag:$0x2] =	sbarrier.arrive $0xFFFF  }
0x1bf: {  	p0 =	sne.s32 s0, $0x0;
	s0 =	rddreg [dreg:$0xb]  }
0x1c0: {  	s0 =	sadd.s32 @!p0 $0x100000, s0  }
0x1c1: {  	[sflag:s0] =	ssyncadd.tile.s32 @!p0 $0x1;
	_ =	shalt  }
.Lfunc_end2:
_tile_overlayer_lowered:
.L_overlay_start_2:
0x1c2: {  	(tag) =	ssettag $0x2  }
0x1c3: {  	s0 =	rddreg [dreg:$0x0];
	s2 =	stileid.u32  }
0x1c4: {  	s1 =	rddreg [dreg:$0x1];
	p0 =	sne.s32 s2, $0x0  }
0x1c5: {  	s3 =	rddreg [dreg:$0x2];
	[bflag:$0x3] =	sbarrier.arrive $0xFFFF;
	s2 =	simm.s32 @!p0 $0x1C04  }
0x1c6: {  	[timem:s3], [sflag:s2] =	dma.local @!p0 [hbm:s0], s1  }
0x1c7: {  	s0 =	simm.s32 @!p0 $0x4  }
0x1c8: {  	_ =	swait.ge @!p0 [sflag:s0], s1  }
0x1c9: {  	s1 =	ssub.s32 @!p0 $0x0, s1;
	[sflag:s0] =	ssyncset.done @!p0 $0x0  }
0x1ca: {  	[sflag:s0] =	ssyncadd.s32 @!p0 s1  }
0x1cb: {  	[bflag:$0x3] =	sbarrier.arrive $0xFFFF  }
0x1cc: {  	_ =	shalt  }

</sc_bundles>
